<compile_context>
chip_gen: v7x
topology: tpu7x:2x2x1
jax: 0.10.2.dev20260603
libtpu: 0.0.44.dev20260713+nightly
codegen_flags: <defaults>
</compile_context>

<pallas_src>
import functools

import jax
import jax.numpy as jnp
from jax import lax
from jax.experimental import pallas as pl
from jax.experimental.pallas import tpu as pltpu
from jax.experimental.pallas import tpu_sc as plsc

EMB_DIM = 128
G = 128
NG = 2
SUP = G * NG


@functools.lru_cache(maxsize=None)
def _make_lookup(n_idx: int, n_emb: int, d: int):
    info = plsc.get_sparse_core_info()
    nw = info.num_cores * info.num_subcores
    assert n_idx % (nw * 2 * SUP) == 0
    per_w = n_idx // nw
    n_chunks = per_w // SUP
    mesh = plsc.VectorSubcoreMesh(core_axis_name="c", subcore_axis_name="s")

    @functools.partial(
        pl.kernel,
        mesh=mesh,
        out_type=jax.ShapeDtypeStruct((n_idx, d), jnp.float32),
        scratch_types=[
            pltpu.VMEM((n_emb, d), jnp.float32),
            pltpu.VMEM_SHARED((n_emb, d), jnp.float32),
            pltpu.VMEM((2, SUP), jnp.int32),
            pltpu.VMEM((2, SUP, d), jnp.float32),
            pltpu.SemaphoreType.DMA,
            pltpu.SemaphoreType.DMA,
            pltpu.SemaphoreType.DMA,
            pltpu.SemaphoreType.DMA,
            pltpu.SemaphoreType.DMA,
            pltpu.SemaphoreType.DMA,
        ],
    )
    def lookup(table_hbm, idx_hbm, out_hbm, table_v, table_sp, idx_v, rows_v,
               g0, g1, o0, o1, i0sem, i1sem):
        wid = lax.axis_index("s") * info.num_cores + lax.axis_index("c")
        base = wid * per_w
        gsem = (g0, g1)
        osem = (o0, o1)
        isem = (i0sem, i1sem)

        @pl.when(lax.axis_index("s") == 0)
        def _():
            pltpu.sync_copy(table_hbm, table_v)
            pltpu.sync_copy(table_v, table_sp)

        plsc.subcore_barrier()

        def start_idx(i, b):
            iw = lax.rem(i, n_chunks)
            pltpu.async_copy(idx_hbm.at[pl.ds(base + iw * SUP, SUP)],
                             idx_v.at[b], isem[b])

        def wait_idx(i, b):
            iw = lax.rem(i, n_chunks)
            pltpu.make_async_copy(idx_hbm.at[pl.ds(base + iw * SUP, SUP)],
                                  idx_v.at[b], isem[b]).wait()

        def start_gather(i, b):
            for k in range(NG):
                pltpu.async_copy(table_sp.at[idx_v.at[b, pl.ds(k * G, G)]],
                                 rows_v.at[b, pl.ds(k * G, G)], gsem[b])

        def wait_gather(b):
            for k in range(NG):
                pltpu.make_async_copy(
                    table_sp.at[idx_v.at[b, pl.ds(k * G, G)]],
                    rows_v.at[b, pl.ds(k * G, G)], gsem[b]).wait()

        def start_store(i, b):
            pltpu.async_copy(rows_v.at[b],
                             out_hbm.at[pl.ds(base + i * SUP, SUP)],
                             osem[b])

        def wait_store(i, b):
            pltpu.make_async_copy(rows_v.at[b],
                                  out_hbm.at[pl.ds(base + i * SUP, SUP)],
                                  osem[b]).wait()

        start_idx(0, 0)
        wait_idx(0, 0)
        start_gather(0, 0)
        start_idx(1, 1)
        wait_idx(1, 1)
        start_gather(1, 1)
        wait_gather(0)
        start_store(0, 0)
        start_idx(2, 0)

        def body(j, carry):
            i0 = 2 * j
            i1 = i0 + 1
            wait_store(i0 - 2, 0)
            wait_idx(i0, 0)
            start_gather(i0, 0)
            wait_gather(1)
            start_store(i0 - 1, 1)
            start_idx(i1, 1)
            wait_store(i1 - 2, 1)
            wait_idx(i1, 1)
            start_gather(i1, 1)
            wait_gather(0)
            start_store(i0, 0)
            start_idx(i0 + 2, 0)
            return carry

        lax.fori_loop(1, n_chunks // 2, body, 0)

        wait_gather(1)
        start_store(n_chunks - 1, 1)
        wait_idx(n_chunks, 0)
        wait_store(n_chunks - 2, 0)
        wait_store(n_chunks - 1, 1)

    return lookup


def kernel(idx, x, table):
    del x
    b, l = idx.shape
    n = b * l
    idx_flat = idx.reshape(n).astype(jnp.int32)
    lookup = _make_lookup(n, table.shape[0], table.shape[1])
    out = lookup(table.astype(jnp.float32), idx_flat)
    return out.reshape(b, l, table.shape[1])

# --- scband reference (transcript-rebuilt; emitter-appended) ---
"""Pipeline reference for scband-m-46248207843541 (READ-ONLY COPY).

The authoritative reference and input builder live on the scoring server;
editing this copy changes nothing except your own understanding.
"""

import jax, jax.numpy as jnp
import numpy as np

NUM_EMB = 64
EMB_DIM = 128
B = 16384
L = 200

def setup_inputs(seed: int = 0) -> dict:
    key = jax.random.key(seed)
    k1, k2, k3 = jax.random.split(key, 3)
    idx = jax.random.randint(k1, (B, L), 0, NUM_EMB, dtype=jnp.int64 if jax.config.jax_enable_x64 else jnp.int32)
    x = jax.random.normal(k2, (B, EMB_DIM), dtype=jnp.float32)
    table = jax.random.normal(k3, (NUM_EMB, EMB_DIM), dtype=jnp.float32)
    return {"idx": idx, "x": x, "table": table}

def reference(idx, x, table):
    # Faithful translation of forward: return self.emb(idx); x is unused.
    return jnp.take(table, idx, axis=0)

if __name__ == "__main__":
    import jax
    _d = setup_inputs()
    print(jax.jit(kernel)(*tuple(_d.values())))

</pallas_src>

<mosaic_0001>
#map = affine_map<(d0, d1) -> (0, 0)>
#map1 = affine_map<(d0, d1) -> (0)>
module attributes {stable_mosaic.version = 14 : i64} {
  func.func @lookup(%arg0: i32, %arg1: i32, %arg2: memref<64x128xf32, #tpu.memory_space<hbm>>, %arg3: memref<3276800xi32, #tpu.memory_space<hbm>>, %arg4: memref<3276800x128xf32, #tpu.memory_space<hbm>>, %arg5: memref<64x128xf32, #tpu.memory_space<vmem>>, %arg6: memref<64x128xf32, #tpu.memory_space<vmem_shared>>, %arg7: memref<2x256xi32, #tpu.memory_space<vmem>>, %arg8: memref<2x256x128xf32, #tpu.memory_space<vmem>>, %arg9: memref<!tpu.dma_semaphore, #tpu.memory_space<semaphore_mem>>, %arg10: memref<!tpu.dma_semaphore, #tpu.memory_space<semaphore_mem>>, %arg11: memref<!tpu.dma_semaphore, #tpu.memory_space<semaphore_mem>>, %arg12: memref<!tpu.dma_semaphore, #tpu.memory_space<semaphore_mem>>, %arg13: memref<!tpu.dma_semaphore, #tpu.memory_space<semaphore_mem>>, %arg14: memref<!tpu.dma_semaphore, #tpu.memory_space<semaphore_mem>>) attributes {dimension_semantics = [#tpu.dimension_semantics<core_parallel>, #tpu.dimension_semantics<subcore_parallel>], iteration_bounds = array<i64: 2, 16>, scalar_prefetch = 0 : i64, scratch_operands = 10 : i64, tpu.core_type = #tpu.core_type<sc_vector_subcore>, window_params = [{transform_indices = #map}, {transform_indices = #map1}, {transform_indices = #map}]} {
    %mul3A = arith.constant 2 : i32
    %mul3A_0 = arith.muli %arg1, %mul3A : i32
    %add3A = arith.addi %mul3A_0, %arg0 : i32
    %mul3A_1 = arith.constant 102400 : i32
    %mul3A_2 = arith.muli %add3A, %mul3A_1 : i32
    %eq3A = arith.constant 0 : i32
    %eq3A_3 = arith.cmpi eq, %arg1, %eq3A : i32
    %convert_element_type3A = arith.extui %eq3A_3 : i1 to i32
    %cond3A = arith.constant 0 : i32
    %cond3A_4 = arith.cmpi ne, %convert_element_type3A, %cond3A : i32
    scf.if %cond3A_4 {
      "tpu.region"() ({
        %run_scoped3A = tpu.sem_alloc : memref<!tpu.dma_semaphore, #tpu.memory_space<semaphore_mem>>
        tpu.enqueue_dma source(%arg2 : memref<64x128xf32, #tpu.memory_space<hbm>>) target(%arg5 : memref<64x128xf32, #tpu.memory_space<vmem>>) target_semaphore(%run_scoped3A : memref<!tpu.dma_semaphore, #tpu.memory_space<semaphore_mem>>)
        tpu.wait_dma2 semaphore(%run_scoped3A : memref<!tpu.dma_semaphore, #tpu.memory_space<semaphore_mem>>) src(%arg2 : memref<64x128xf32, #tpu.memory_space<hbm>>) dst(%arg5 : memref<64x128xf32, #tpu.memory_space<vmem>>)
        tpu.yield
      }) : () -> ()
      "tpu.region"() ({
        %run_scoped3A = tpu.sem_alloc : memref<!tpu.dma_semaphore, #tpu.memory_space<semaphore_mem>>
        tpu.enqueue_dma source(%arg5 : memref<64x128xf32, #tpu.memory_space<vmem>>) target(%arg6 : memref<64x128xf32, #tpu.memory_space<vmem_shared>>) target_semaphore(%run_scoped3A : memref<!tpu.dma_semaphore, #tpu.memory_space<semaphore_mem>>)
        tpu.wait_dma2 semaphore(%run_scoped3A : memref<!tpu.dma_semaphore, #tpu.memory_space<semaphore_mem>>) src(%arg5 : memref<64x128xf32, #tpu.memory_space<vmem>>) dst(%arg6 : memref<64x128xf32, #tpu.memory_space<vmem_shared>>)
        tpu.yield
      }) : () -> ()
    } else {
    }
    %barrier3A = arith.constant 0 : index
    tpu.barrier barrier_id(%barrier3A)
    %rem3A = arith.constant 0 : i32
    %rem3A_5 = arith.constant 400 : i32
    %rem3A_6 = arith.remsi %rem3A, %rem3A_5 : i32
    %mul3A_7 = arith.constant 256 : i32
    %mul3A_8 = arith.muli %rem3A_6, %mul3A_7 : i32
    %add3A_9 = arith.addi %mul3A_2, %mul3A_8 : i32
    %dma_start3A = arith.constant 0 : i32
    %dma_start3A_10 = arith.constant 0 : i32
    %dma_start3A_11 = tpu.memref_slice %arg7[%dma_start3A, %dma_start3A_10] : memref<2x256xi32, #tpu.memory_space<vmem>> -> memref<1x256xi32, #tpu.memory_space<vmem>>
    %dma_start3A_12 = tpu.memref_squeeze %dma_start3A_11 : memref<1x256xi32, #tpu.memory_space<vmem>> -> memref<256xi32, #tpu.memory_space<vmem>>
    %dma_start3A_13 = tpu.memref_slice %arg3[%add3A_9] : memref<3276800xi32, #tpu.memory_space<hbm>> -> memref<256xi32, #tpu.memory_space<hbm>>
    %dma_start3A_14 = arith.constant 0 : i32
    %dma_start3A_15 = tpu.memref_slice %arg7[%dma_start3A, %dma_start3A_14] : memref<2x256xi32, #tpu.memory_space<vmem>> -> memref<1x256xi32, #tpu.memory_space<vmem>>
    %dma_start3A_16 = tpu.memref_squeeze %dma_start3A_15 : memref<1x256xi32, #tpu.memory_space<vmem>> -> memref<256xi32, #tpu.memory_space<vmem>>
    %dma_start3A_17 = tpu.memref_slice %arg3[%add3A_9] : memref<3276800xi32, #tpu.memory_space<hbm>> -> memref<256xi32, #tpu.memory_space<hbm>>
    tpu.enqueue_dma source(%dma_start3A_17 : memref<256xi32, #tpu.memory_space<hbm>>) target(%dma_start3A_16 : memref<256xi32, #tpu.memory_space<vmem>>) target_semaphore(%arg13 : memref<!tpu.dma_semaphore, #tpu.memory_space<semaphore_mem>>)
    %rem3A_18 = arith.constant 0 : i32
    %rem3A_19 = arith.constant 400 : i32
    %rem3A_20 = arith.remsi %rem3A_18, %rem3A_19 : i32
    %mul3A_21 = arith.constant 256 : i32
    %mul3A_22 = arith.muli %rem3A_20, %mul3A_21 : i32
    %add3A_23 = arith.addi %mul3A_2, %mul3A_22 : i32
    %dma_wait3A = arith.constant 0 : i32
    %dma_wait3A_24 = arith.constant 0 : i32
    %dma_wait3A_25 = tpu.memref_slice %arg7[%dma_wait3A, %dma_wait3A_24] : memref<2x256xi32, #tpu.memory_space<vmem>> -> memref<1x256xi32, #tpu.memory_space<vmem>>
    %dma_wait3A_26 = tpu.memref_squeeze %dma_wait3A_25 : memref<1x256xi32, #tpu.memory_space<vmem>> -> memref<256xi32, #tpu.memory_space<vmem>>
    %dma_wait3A_27 = tpu.memref_slice %arg3[%add3A_23] : memref<3276800xi32, #tpu.memory_space<hbm>> -> memref<256xi32, #tpu.memory_space<hbm>>
    %dma_wait3A_28 = arith.constant 0 : i32
    %dma_wait3A_29 = tpu.memref_slice %arg7[%dma_wait3A, %dma_wait3A_28] : memref<2x256xi32, #tpu.memory_space<vmem>> -> memref<1x256xi32, #tpu.memory_space<vmem>>
    %dma_wait3A_30 = tpu.memref_squeeze %dma_wait3A_29 : memref<1x256xi32, #tpu.memory_space<vmem>> -> memref<256xi32, #tpu.memory_space<vmem>>
    %dma_wait3A_31 = tpu.memref_slice %arg3[%add3A_23] : memref<3276800xi32, #tpu.memory_space<hbm>> -> memref<256xi32, #tpu.memory_space<hbm>>
    tpu.wait_dma2 semaphore(%arg13 : memref<!tpu.dma_semaphore, #tpu.memory_space<semaphore_mem>>) src(%dma_wait3A_31 : memref<256xi32, #tpu.memory_space<hbm>>) dst(%dma_wait3A_30 : memref<256xi32, #tpu.memory_space<vmem>>)
    %dma_start3A_32 = arith.constant 0 : i32
    %dma_start3A_33 = arith.constant 0 : i32
    %dma_start3A_34 = arith.constant 0 : i32
    %dma_start3A_35 = arith.constant 0 : i32
    %dma_start3A_36 = tpu.memref_slice %arg8[%dma_start3A_33, %dma_start3A_34, %dma_start3A_35] : memref<2x256x128xf32, #tpu.memory_space<vmem>> -> memref<1x128x128xf32, #tpu.memory_space<vmem>>
    %dma_start3A_37 = tpu.memref_squeeze %dma_start3A_36 : memref<1x128x128xf32, #tpu.memory_space<vmem>> -> memref<128x128xf32, #tpu.memory_space<vmem>>
    %dma_start3A_38 = arith.constant 0 : i32
    %dma_start3A_39 = tpu.memref_slice %arg7[%dma_start3A_32, %dma_start3A_38] : memref<2x256xi32, #tpu.memory_space<vmem>> -> memref<1x128xi32, #tpu.memory_space<vmem>>
    %dma_start3A_40 = tpu.memref_squeeze %dma_start3A_39 : memref<1x128xi32, #tpu.memory_space<vmem>> -> memref<128xi32, #tpu.memory_space<vmem>>
    %dma_start3A_41 = arith.constant 0 : i32
    %dma_start3A_42 = arith.constant 0 : i32
    %dma_start3A_43 = tpu.memref_slice %arg6[%dma_start3A_41, %dma_start3A_42] : memref<64x128xf32, #tpu.memory_space<vmem_shared>> -> memref<64x128xf32, #tpu.memory_space<vmem_shared>>
    tpu.enqueue_indirect_dma source(%dma_start3A_43 : memref<64x128xf32, #tpu.memory_space<vmem_shared>>) target(%dma_start3A_37 : memref<128x128xf32, #tpu.memory_space<vmem>>) offsets(%dma_start3A_40 : memref<128xi32, #tpu.memory_space<vmem>>) semaphore(%arg9 : memref<!tpu.dma_semaphore, #tpu.memory_space<semaphore_mem>>)
    %dma_start3A_44 = arith.constant 0 : i32
    %dma_start3A_45 = arith.constant 0 : i32
    %dma_start3A_46 = arith.constant 128 : i32
    %dma_start3A_47 = arith.constant 0 : i32
    %dma_start3A_48 = tpu.memref_slice %arg8[%dma_start3A_45, %dma_start3A_46, %dma_start3A_47] : memref<2x256x128xf32, #tpu.memory_space<vmem>> -> memref<1x128x128xf32, #tpu.memory_space<vmem>>
    %dma_start3A_49 = tpu.memref_squeeze %dma_start3A_48 : memref<1x128x128xf32, #tpu.memory_space<vmem>> -> memref<128x128xf32, #tpu.memory_space<vmem>>
    %dma_start3A_50 = arith.constant 128 : i32
    %dma_start3A_51 = tpu.memref_slice %arg7[%dma_start3A_44, %dma_start3A_50] : memref<2x256xi32, #tpu.memory_space<vmem>> -> memref<1x128xi32, #tpu.memory_space<vmem>>
    %dma_start3A_52 = tpu.memref_squeeze %dma_start3A_51 : memref<1x128xi32, #tpu.memory_space<vmem>> -> memref<128xi32, #tpu.memory_space<vmem>>
    %dma_start3A_53 = arith.constant 0 : i32
    %dma_start3A_54 = arith.constant 0 : i32
    %dma_start3A_55 = tpu.memref_slice %arg6[%dma_start3A_53, %dma_start3A_54] : memref<64x128xf32, #tpu.memory_space<vmem_shared>> -> memref<64x128xf32, #tpu.memory_space<vmem_shared>>
    tpu.enqueue_indirect_dma source(%dma_start3A_55 : memref<64x128xf32, #tpu.memory_space<vmem_shared>>) target(%dma_start3A_49 : memref<128x128xf32, #tpu.memory_space<vmem>>) offsets(%dma_start3A_52 : memref<128xi32, #tpu.memory_space<vmem>>) semaphore(%arg9 : memref<!tpu.dma_semaphore, #tpu.memory_space<semaphore_mem>>)
    %rem3A_56 = arith.constant 1 : i32
    %rem3A_57 = arith.constant 400 : i32
    %rem3A_58 = arith.remsi %rem3A_56, %rem3A_57 : i32
    %mul3A_59 = arith.constant 256 : i32
    %mul3A_60 = arith.muli %rem3A_58, %mul3A_59 : i32
    %add3A_61 = arith.addi %mul3A_2, %mul3A_60 : i32
    %dma_start3A_62 = arith.constant 1 : i32
    %dma_start3A_63 = arith.constant 0 : i32
    %dma_start3A_64 = tpu.memref_slice %arg7[%dma_start3A_62, %dma_start3A_63] : memref<2x256xi32, #tpu.memory_space<vmem>> -> memref<1x256xi32, #tpu.memory_space<vmem>>
    %dma_start3A_65 = tpu.memref_squeeze %dma_start3A_64 : memref<1x256xi32, #tpu.memory_space<vmem>> -> memref<256xi32, #tpu.memory_space<vmem>>
    %dma_start3A_66 = tpu.memref_slice %arg3[%add3A_61] : memref<3276800xi32, #tpu.memory_space<hbm>> -> memref<256xi32, #tpu.memory_space<hbm>>
    %dma_start3A_67 = arith.constant 0 : i32
    %dma_start3A_68 = tpu.memref_slice %arg7[%dma_start3A_62, %dma_start3A_67] : memref<2x256xi32, #tpu.memory_space<vmem>> -> memref<1x256xi32, #tpu.memory_space<vmem>>
    %dma_start3A_69 = tpu.memref_squeeze %dma_start3A_68 : memref<1x256xi32, #tpu.memory_space<vmem>> -> memref<256xi32, #tpu.memory_space<vmem>>
    %dma_start3A_70 = tpu.memref_slice %arg3[%add3A_61] : memref<3276800xi32, #tpu.memory_space<hbm>> -> memref<256xi32, #tpu.memory_space<hbm>>
    tpu.enqueue_dma source(%dma_start3A_70 : memref<256xi32, #tpu.memory_space<hbm>>) target(%dma_start3A_69 : memref<256xi32, #tpu.memory_space<vmem>>) target_semaphore(%arg14 : memref<!tpu.dma_semaphore, #tpu.memory_space<semaphore_mem>>)
    %rem3A_71 = arith.constant 1 : i32
    %rem3A_72 = arith.constant 400 : i32
    %rem3A_73 = arith.remsi %rem3A_71, %rem3A_72 : i32
    %mul3A_74 = arith.constant 256 : i32
    %mul3A_75 = arith.muli %rem3A_73, %mul3A_74 : i32
    %add3A_76 = arith.addi %mul3A_2, %mul3A_75 : i32
    %dma_wait3A_77 = arith.constant 1 : i32
    %dma_wait3A_78 = arith.constant 0 : i32
    %dma_wait3A_79 = tpu.memref_slice %arg7[%dma_wait3A_77, %dma_wait3A_78] : memref<2x256xi32, #tpu.memory_space<vmem>> -> memref<1x256xi32, #tpu.memory_space<vmem>>
    %dma_wait3A_80 = tpu.memref_squeeze %dma_wait3A_79 : memref<1x256xi32, #tpu.memory_space<vmem>> -> memref<256xi32, #tpu.memory_space<vmem>>
    %dma_wait3A_81 = tpu.memref_slice %arg3[%add3A_76] : memref<3276800xi32, #tpu.memory_space<hbm>> -> memref<256xi32, #tpu.memory_space<hbm>>
    %dma_wait3A_82 = arith.constant 0 : i32
    %dma_wait3A_83 = tpu.memref_slice %arg7[%dma_wait3A_77, %dma_wait3A_82] : memref<2x256xi32, #tpu.memory_space<vmem>> -> memref<1x256xi32, #tpu.memory_space<vmem>>
    %dma_wait3A_84 = tpu.memref_squeeze %dma_wait3A_83 : memref<1x256xi32, #tpu.memory_space<vmem>> -> memref<256xi32, #tpu.memory_space<vmem>>
    %dma_wait3A_85 = tpu.memref_slice %arg3[%add3A_76] : memref<3276800xi32, #tpu.memory_space<hbm>> -> memref<256xi32, #tpu.memory_space<hbm>>
    tpu.wait_dma2 semaphore(%arg14 : memref<!tpu.dma_semaphore, #tpu.memory_space<semaphore_mem>>) src(%dma_wait3A_85 : memref<256xi32, #tpu.memory_space<hbm>>) dst(%dma_wait3A_84 : memref<256xi32, #tpu.memory_space<vmem>>)
    %dma_start3A_86 = arith.constant 1 : i32
    %dma_start3A_87 = arith.constant 1 : i32
    %dma_start3A_88 = arith.constant 0 : i32
    %dma_start3A_89 = arith.constant 0 : i32
    %dma_start3A_90 = tpu.memref_slice %arg8[%dma_start3A_87, %dma_start3A_88, %dma_start3A_89] : memref<2x256x128xf32, #tpu.memory_space<vmem>> -> memref<1x128x128xf32, #tpu.memory_space<vmem>>
    %dma_start3A_91 = tpu.memref_squeeze %dma_start3A_90 : memref<1x128x128xf32, #tpu.memory_space<vmem>> -> memref<128x128xf32, #tpu.memory_space<vmem>>
    %dma_start3A_92 = arith.constant 0 : i32
    %dma_start3A_93 = tpu.memref_slice %arg7[%dma_start3A_86, %dma_start3A_92] : memref<2x256xi32, #tpu.memory_space<vmem>> -> memref<1x128xi32, #tpu.memory_space<vmem>>
    %dma_start3A_94 = tpu.memref_squeeze %dma_start3A_93 : memref<1x128xi32, #tpu.memory_space<vmem>> -> memref<128xi32, #tpu.memory_space<vmem>>
    %dma_start3A_95 = arith.constant 0 : i32
    %dma_start3A_96 = arith.constant 0 : i32
    %dma_start3A_97 = tpu.memref_slice %arg6[%dma_start3A_95, %dma_start3A_96] : memref<64x128xf32, #tpu.memory_space<vmem_shared>> -> memref<64x128xf32, #tpu.memory_space<vmem_shared>>
    tpu.enqueue_indirect_dma source(%dma_start3A_97 : memref<64x128xf32, #tpu.memory_space<vmem_shared>>) target(%dma_start3A_91 : memref<128x128xf32, #tpu.memory_space<vmem>>) offsets(%dma_start3A_94 : memref<128xi32, #tpu.memory_space<vmem>>) semaphore(%arg10 : memref<!tpu.dma_semaphore, #tpu.memory_space<semaphore_mem>>)
    %dma_start3A_98 = arith.constant 1 : i32
    %dma_start3A_99 = arith.constant 1 : i32
    %dma_start3A_100 = arith.constant 128 : i32
    %dma_start3A_101 = arith.constant 0 : i32
    %dma_start3A_102 = tpu.memref_slice %arg8[%dma_start3A_99, %dma_start3A_100, %dma_start3A_101] : memref<2x256x128xf32, #tpu.memory_space<vmem>> -> memref<1x128x128xf32, #tpu.memory_space<vmem>>
    %dma_start3A_103 = tpu.memref_squeeze %dma_start3A_102 : memref<1x128x128xf32, #tpu.memory_space<vmem>> -> memref<128x128xf32, #tpu.memory_space<vmem>>
    %dma_start3A_104 = arith.constant 128 : i32
    %dma_start3A_105 = tpu.memref_slice %arg7[%dma_start3A_98, %dma_start3A_104] : memref<2x256xi32, #tpu.memory_space<vmem>> -> memref<1x128xi32, #tpu.memory_space<vmem>>
    %dma_start3A_106 = tpu.memref_squeeze %dma_start3A_105 : memref<1x128xi32, #tpu.memory_space<vmem>> -> memref<128xi32, #tpu.memory_space<vmem>>
    %dma_start3A_107 = arith.constant 0 : i32
    %dma_start3A_108 = arith.constant 0 : i32
    %dma_start3A_109 = tpu.memref_slice %arg6[%dma_start3A_107, %dma_start3A_108] : memref<64x128xf32, #tpu.memory_space<vmem_shared>> -> memref<64x128xf32, #tpu.memory_space<vmem_shared>>
    tpu.enqueue_indirect_dma source(%dma_start3A_109 : memref<64x128xf32, #tpu.memory_space<vmem_shared>>) target(%dma_start3A_103 : memref<128x128xf32, #tpu.memory_space<vmem>>) offsets(%dma_start3A_106 : memref<128xi32, #tpu.memory_space<vmem>>) semaphore(%arg10 : memref<!tpu.dma_semaphore, #tpu.memory_space<semaphore_mem>>)
    %dma_wait3A_110 = arith.constant 0 : i32
    %dma_wait3A_111 = arith.constant 0 : i32
    %dma_wait3A_112 = arith.constant 0 : i32
    %dma_wait3A_113 = arith.constant 0 : i32
    %dma_wait3A_114 = tpu.memref_slice %arg8[%dma_wait3A_111, %dma_wait3A_112, %dma_wait3A_113] : memref<2x256x128xf32, #tpu.memory_space<vmem>> -> memref<1x128x128xf32, #tpu.memory_space<vmem>>
    %dma_wait3A_115 = tpu.memref_squeeze %dma_wait3A_114 : memref<1x128x128xf32, #tpu.memory_space<vmem>> -> memref<128x128xf32, #tpu.memory_space<vmem>>
    %dma_wait3A_116 = arith.constant 0 : i32
    %dma_wait3A_117 = tpu.memref_slice %arg7[%dma_wait3A_110, %dma_wait3A_116] : memref<2x256xi32, #tpu.memory_space<vmem>> -> memref<1x128xi32, #tpu.memory_space<vmem>>
    %dma_wait3A_118 = tpu.memref_squeeze %dma_wait3A_117 : memref<1x128xi32, #tpu.memory_space<vmem>> -> memref<128xi32, #tpu.memory_space<vmem>>
    %dma_wait3A_119 = arith.constant 0 : i32
    %dma_wait3A_120 = arith.constant 0 : i32
    %dma_wait3A_121 = tpu.memref_slice %arg6[%dma_wait3A_119, %dma_wait3A_120] : memref<64x128xf32, #tpu.memory_space<vmem_shared>> -> memref<64x128xf32, #tpu.memory_space<vmem_shared>>
    tpu.wait_indirect_dma semaphore(%arg9 : memref<!tpu.dma_semaphore, #tpu.memory_space<semaphore_mem>>) src(%dma_wait3A_121 : memref<64x128xf32, #tpu.memory_space<vmem_shared>>) dst(%dma_wait3A_115 : memref<128x128xf32, #tpu.memory_space<vmem>>)
    %dma_wait3A_122 = arith.constant 0 : i32
    %dma_wait3A_123 = arith.constant 0 : i32
    %dma_wait3A_124 = arith.constant 128 : i32
    %dma_wait3A_125 = arith.constant 0 : i32
    %dma_wait3A_126 = tpu.memref_slice %arg8[%dma_wait3A_123, %dma_wait3A_124, %dma_wait3A_125] : memref<2x256x128xf32, #tpu.memory_space<vmem>> -> memref<1x128x128xf32, #tpu.memory_space<vmem>>
    %dma_wait3A_127 = tpu.memref_squeeze %dma_wait3A_126 : memref<1x128x128xf32, #tpu.memory_space<vmem>> -> memref<128x128xf32, #tpu.memory_space<vmem>>
    %dma_wait3A_128 = arith.constant 128 : i32
    %dma_wait3A_129 = tpu.memref_slice %arg7[%dma_wait3A_122, %dma_wait3A_128] : memref<2x256xi32, #tpu.memory_space<vmem>> -> memref<1x128xi32, #tpu.memory_space<vmem>>
    %dma_wait3A_130 = tpu.memref_squeeze %dma_wait3A_129 : memref<1x128xi32, #tpu.memory_space<vmem>> -> memref<128xi32, #tpu.memory_space<vmem>>
    %dma_wait3A_131 = arith.constant 0 : i32
    %dma_wait3A_132 = arith.constant 0 : i32
    %dma_wait3A_133 = tpu.memref_slice %arg6[%dma_wait3A_131, %dma_wait3A_132] : memref<64x128xf32, #tpu.memory_space<vmem_shared>> -> memref<64x128xf32, #tpu.memory_space<vmem_shared>>
    tpu.wait_indirect_dma semaphore(%arg9 : memref<!tpu.dma_semaphore, #tpu.memory_space<semaphore_mem>>) src(%dma_wait3A_133 : memref<64x128xf32, #tpu.memory_space<vmem_shared>>) dst(%dma_wait3A_127 : memref<128x128xf32, #tpu.memory_space<vmem>>)
    %add3A_134 = arith.constant 0 : i32
    %add3A_135 = arith.addi %mul3A_2, %add3A_134 : i32
    %dma_start3A_136 = arith.constant 0 : i32
    %dma_start3A_137 = arith.constant 0 : i32
    %dma_start3A_138 = arith.constant 0 : i32
    %dma_start3A_139 = tpu.memref_slice %arg8[%dma_start3A_136, %dma_start3A_137, %dma_start3A_138] : memref<2x256x128xf32, #tpu.memory_space<vmem>> -> memref<1x256x128xf32, #tpu.memory_space<vmem>>
    %dma_start3A_140 = tpu.memref_squeeze %dma_start3A_139 : memref<1x256x128xf32, #tpu.memory_space<vmem>> -> memref<256x128xf32, #tpu.memory_space<vmem>>
    %dma_start3A_141 = arith.constant 0 : i32
    %dma_start3A_142 = tpu.memref_slice %arg4[%add3A_135, %dma_start3A_141] : memref<3276800x128xf32, #tpu.memory_space<hbm>> -> memref<256x128xf32, #tpu.memory_space<hbm>>
    %dma_start3A_143 = arith.constant 0 : i32
    %dma_start3A_144 = tpu.memref_slice %arg4[%add3A_135, %dma_start3A_143] : memref<3276800x128xf32, #tpu.memory_space<hbm>> -> memref<256x128xf32, #tpu.memory_space<hbm>>
    %dma_start3A_145 = arith.constant 0 : i32
    %dma_start3A_146 = arith.constant 0 : i32
    %dma_start3A_147 = tpu.memref_slice %arg8[%dma_start3A_136, %dma_start3A_145, %dma_start3A_146] : memref<2x256x128xf32, #tpu.memory_space<vmem>> -> memref<1x256x128xf32, #tpu.memory_space<vmem>>
    %dma_start3A_148 = tpu.memref_squeeze %dma_start3A_147 : memref<1x256x128xf32, #tpu.memory_space<vmem>> -> memref<256x128xf32, #tpu.memory_space<vmem>>
    tpu.enqueue_dma source(%dma_start3A_148 : memref<256x128xf32, #tpu.memory_space<vmem>>) target(%dma_start3A_144 : memref<256x128xf32, #tpu.memory_space<hbm>>) target_semaphore(%arg11 : memref<!tpu.dma_semaphore, #tpu.memory_space<semaphore_mem>>)
    %rem3A_149 = arith.constant 2 : i32
    %rem3A_150 = arith.constant 400 : i32
    %rem3A_151 = arith.remsi %rem3A_149, %rem3A_150 : i32
    %mul3A_152 = arith.constant 256 : i32
    %mul3A_153 = arith.muli %rem3A_151, %mul3A_152 : i32
    %add3A_154 = arith.addi %mul3A_2, %mul3A_153 : i32
    %dma_start3A_155 = arith.constant 0 : i32
    %dma_start3A_156 = arith.constant 0 : i32
    %dma_start3A_157 = tpu.memref_slice %arg7[%dma_start3A_155, %dma_start3A_156] : memref<2x256xi32, #tpu.memory_space<vmem>> -> memref<1x256xi32, #tpu.memory_space<vmem>>
    %dma_start3A_158 = tpu.memref_squeeze %dma_start3A_157 : memref<1x256xi32, #tpu.memory_space<vmem>> -> memref<256xi32, #tpu.memory_space<vmem>>
    %dma_start3A_159 = tpu.memref_slice %arg3[%add3A_154] : memref<3276800xi32, #tpu.memory_space<hbm>> -> memref<256xi32, #tpu.memory_space<hbm>>
    %dma_start3A_160 = arith.constant 0 : i32
    %dma_start3A_161 = tpu.memref_slice %arg7[%dma_start3A_155, %dma_start3A_160] : memref<2x256xi32, #tpu.memory_space<vmem>> -> memref<1x256xi32, #tpu.memory_space<vmem>>
    %dma_start3A_162 = tpu.memref_squeeze %dma_start3A_161 : memref<1x256xi32, #tpu.memory_space<vmem>> -> memref<256xi32, #tpu.memory_space<vmem>>
    %dma_start3A_163 = tpu.memref_slice %arg3[%add3A_154] : memref<3276800xi32, #tpu.memory_space<hbm>> -> memref<256xi32, #tpu.memory_space<hbm>>
    tpu.enqueue_dma source(%dma_start3A_163 : memref<256xi32, #tpu.memory_space<hbm>>) target(%dma_start3A_162 : memref<256xi32, #tpu.memory_space<vmem>>) target_semaphore(%arg13 : memref<!tpu.dma_semaphore, #tpu.memory_space<semaphore_mem>>)
    %scan3A = arith.constant 0 : i32
    %scan3A_164 = arith.constant 1 : i32
    %scan3A_165 = arith.constant 199 : i32
    %scan3A_166 = arith.addi %scan3A_164, %scan3A_165 : i32
    %scan3A_167 = arith.constant 1 : i32
    scf.for %scan3A_253 = %scan3A_164 to %scan3A_166 step %scan3A_167  : i32 {
      %mul3A_254 = arith.constant 2 : i32
      %mul3A_255 = arith.muli %mul3A_254, %scan3A_253 : i32
      %add3A_256 = arith.constant 1 : i32
      %add3A_257 = arith.addi %mul3A_255, %add3A_256 : i32
      %sub3A = arith.constant 2 : i32
      %sub3A_258 = arith.subi %mul3A_255, %sub3A : i32
      %mul3A_259 = arith.constant 256 : i32
      %mul3A_260 = arith.muli %sub3A_258, %mul3A_259 : i32
      %add3A_261 = arith.addi %mul3A_2, %mul3A_260 : i32
      %dma_wait3A_262 = arith.constant 0 : i32
      %dma_wait3A_263 = arith.constant 0 : i32
      %dma_wait3A_264 = arith.constant 0 : i32
      %dma_wait3A_265 = tpu.memref_slice %arg8[%dma_wait3A_262, %dma_wait3A_263, %dma_wait3A_264] : memref<2x256x128xf32, #tpu.memory_space<vmem>> -> memref<1x256x128xf32, #tpu.memory_space<vmem>>
      %dma_wait3A_266 = tpu.memref_squeeze %dma_wait3A_265 : memref<1x256x128xf32, #tpu.memory_space<vmem>> -> memref<256x128xf32, #tpu.memory_space<vmem>>
      %dma_wait3A_267 = arith.constant 0 : i32
      %dma_wait3A_268 = tpu.memref_slice %arg4[%add3A_261, %dma_wait3A_267] : memref<3276800x128xf32, #tpu.memory_space<hbm>> -> memref<256x128xf32, #tpu.memory_space<hbm>>
      %dma_wait3A_269 = arith.constant 0 : i32
      %dma_wait3A_270 = tpu.memref_slice %arg4[%add3A_261, %dma_wait3A_269] : memref<3276800x128xf32, #tpu.memory_space<hbm>> -> memref<256x128xf32, #tpu.memory_space<hbm>>
      %dma_wait3A_271 = arith.constant 0 : i32
      %dma_wait3A_272 = arith.constant 0 : i32
      %dma_wait3A_273 = tpu.memref_slice %arg8[%dma_wait3A_262, %dma_wait3A_271, %dma_wait3A_272] : memref<2x256x128xf32, #tpu.memory_space<vmem>> -> memref<1x256x128xf32, #tpu.memory_space<vmem>>
      %dma_wait3A_274 = tpu.memref_squeeze %dma_wait3A_273 : memref<1x256x128xf32, #tpu.memory_space<vmem>> -> memref<256x128xf32, #tpu.memory_space<vmem>>
      tpu.wait_dma2 semaphore(%arg11 : memref<!tpu.dma_semaphore, #tpu.memory_space<semaphore_mem>>) src(%dma_wait3A_274 : memref<256x128xf32, #tpu.memory_space<vmem>>) dst(%dma_wait3A_270 : memref<256x128xf32, #tpu.memory_space<hbm>>)
      %rem3A_275 = arith.constant 400 : i32
      %rem3A_276 = arith.remsi %mul3A_255, %rem3A_275 : i32
      %mul3A_277 = arith.constant 256 : i32
      %mul3A_278 = arith.muli %rem3A_276, %mul3A_277 : i32
      %add3A_279 = arith.addi %mul3A_2, %mul3A_278 : i32
      %dma_wait3A_280 = arith.constant 0 : i32
      %dma_wait3A_281 = arith.constant 0 : i32
      %dma_wait3A_282 = tpu.memref_slice %arg7[%dma_wait3A_280, %dma_wait3A_281] : memref<2x256xi32, #tpu.memory_space<vmem>> -> memref<1x256xi32, #tpu.memory_space<vmem>>
      %dma_wait3A_283 = tpu.memref_squeeze %dma_wait3A_282 : memref<1x256xi32, #tpu.memory_space<vmem>> -> memref<256xi32, #tpu.memory_space<vmem>>
      %dma_wait3A_284 = tpu.memref_slice %arg3[%add3A_279] : memref<3276800xi32, #tpu.memory_space<hbm>> -> memref<256xi32, #tpu.memory_space<hbm>>
      %dma_wait3A_285 = arith.constant 0 : i32
      %dma_wait3A_286 = tpu.memref_slice %arg7[%dma_wait3A_280, %dma_wait3A_285] : memref<2x256xi32, #tpu.memory_space<vmem>> -> memref<1x256xi32, #tpu.memory_space<vmem>>
      %dma_wait3A_287 = tpu.memref_squeeze %dma_wait3A_286 : memref<1x256xi32, #tpu.memory_space<vmem>> -> memref<256xi32, #tpu.memory_space<vmem>>
      %dma_wait3A_288 = tpu.memref_slice %arg3[%add3A_279] : memref<3276800xi32, #tpu.memory_space<hbm>> -> memref<256xi32, #tpu.memory_space<hbm>>
      tpu.wait_dma2 semaphore(%arg13 : memref<!tpu.dma_semaphore, #tpu.memory_space<semaphore_mem>>) src(%dma_wait3A_288 : memref<256xi32, #tpu.memory_space<hbm>>) dst(%dma_wait3A_287 : memref<256xi32, #tpu.memory_space<vmem>>)
      %dma_start3A_289 = arith.constant 0 : i32
      %dma_start3A_290 = arith.constant 0 : i32
      %dma_start3A_291 = arith.constant 0 : i32
      %dma_start3A_292 = arith.constant 0 : i32
      %dma_start3A_293 = tpu.memref_slice %arg8[%dma_start3A_290, %dma_start3A_291, %dma_start3A_292] : memref<2x256x128xf32, #tpu.memory_space<vmem>> -> memref<1x128x128xf32, #tpu.memory_space<vmem>>
      %dma_start3A_294 = tpu.memref_squeeze %dma_start3A_293 : memref<1x128x128xf32, #tpu.memory_space<vmem>> -> memref<128x128xf32, #tpu.memory_space<vmem>>
      %dma_start3A_295 = arith.constant 0 : i32
      %dma_start3A_296 = tpu.memref_slice %arg7[%dma_start3A_289, %dma_start3A_295] : memref<2x256xi32, #tpu.memory_space<vmem>> -> memref<1x128xi32, #tpu.memory_space<vmem>>
      %dma_start3A_297 = tpu.memref_squeeze %dma_start3A_296 : memref<1x128xi32, #tpu.memory_space<vmem>> -> memref<128xi32, #tpu.memory_space<vmem>>
      %dma_start3A_298 = arith.constant 0 : i32
      %dma_start3A_299 = arith.constant 0 : i32
      %dma_start3A_300 = tpu.memref_slice %arg6[%dma_start3A_298, %dma_start3A_299] : memref<64x128xf32, #tpu.memory_space<vmem_shared>> -> memref<64x128xf32, #tpu.memory_space<vmem_shared>>
      tpu.enqueue_indirect_dma source(%dma_start3A_300 : memref<64x128xf32, #tpu.memory_space<vmem_shared>>) target(%dma_start3A_294 : memref<128x128xf32, #tpu.memory_space<vmem>>) offsets(%dma_start3A_297 : memref<128xi32, #tpu.memory_space<vmem>>) semaphore(%arg9 : memref<!tpu.dma_semaphore, #tpu.memory_space<semaphore_mem>>)
      %dma_start3A_301 = arith.constant 0 : i32
      %dma_start3A_302 = arith.constant 0 : i32
      %dma_start3A_303 = arith.constant 128 : i32
      %dma_start3A_304 = arith.constant 0 : i32
      %dma_start3A_305 = tpu.memref_slice %arg8[%dma_start3A_302, %dma_start3A_303, %dma_start3A_304] : memref<2x256x128xf32, #tpu.memory_space<vmem>> -> memref<1x128x128xf32, #tpu.memory_space<vmem>>
      %dma_start3A_306 = tpu.memref_squeeze %dma_start3A_305 : memref<1x128x128xf32, #tpu.memory_space<vmem>> -> memref<128x128xf32, #tpu.memory_space<vmem>>
      %dma_start3A_307 = arith.constant 128 : i32
      %dma_start3A_308 = tpu.memref_slice %arg7[%dma_start3A_301, %dma_start3A_307] : memref<2x256xi32, #tpu.memory_space<vmem>> -> memref<1x128xi32, #tpu.memory_space<vmem>>
      %dma_start3A_309 = tpu.memref_squeeze %dma_start3A_308 : memref<1x128xi32, #tpu.memory_space<vmem>> -> memref<128xi32, #tpu.memory_space<vmem>>
      %dma_start3A_310 = arith.constant 0 : i32
      %dma_start3A_311 = arith.constant 0 : i32
      %dma_start3A_312 = tpu.memref_slice %arg6[%dma_start3A_310, %dma_start3A_311] : memref<64x128xf32, #tpu.memory_space<vmem_shared>> -> memref<64x128xf32, #tpu.memory_space<vmem_shared>>
      tpu.enqueue_indirect_dma source(%dma_start3A_312 : memref<64x128xf32, #tpu.memory_space<vmem_shared>>) target(%dma_start3A_306 : memref<128x128xf32, #tpu.memory_space<vmem>>) offsets(%dma_start3A_309 : memref<128xi32, #tpu.memory_space<vmem>>) semaphore(%arg9 : memref<!tpu.dma_semaphore, #tpu.memory_space<semaphore_mem>>)
      %dma_wait3A_313 = arith.constant 1 : i32
      %dma_wait3A_314 = arith.constant 1 : i32
      %dma_wait3A_315 = arith.constant 0 : i32
      %dma_wait3A_316 = arith.constant 0 : i32
      %dma_wait3A_317 = tpu.memref_slice %arg8[%dma_wait3A_314, %dma_wait3A_315, %dma_wait3A_316] : memref<2x256x128xf32, #tpu.memory_space<vmem>> -> memref<1x128x128xf32, #tpu.memory_space<vmem>>
      %dma_wait3A_318 = tpu.memref_squeeze %dma_wait3A_317 : memref<1x128x128xf32, #tpu.memory_space<vmem>> -> memref<128x128xf32, #tpu.memory_space<vmem>>
      %dma_wait3A_319 = arith.constant 0 : i32
      %dma_wait3A_320 = tpu.memref_slice %arg7[%dma_wait3A_313, %dma_wait3A_319] : memref<2x256xi32, #tpu.memory_space<vmem>> -> memref<1x128xi32, #tpu.memory_space<vmem>>
      %dma_wait3A_321 = tpu.memref_squeeze %dma_wait3A_320 : memref<1x128xi32, #tpu.memory_space<vmem>> -> memref<128xi32, #tpu.memory_space<vmem>>
      %dma_wait3A_322 = arith.constant 0 : i32
      %dma_wait3A_323 = arith.constant 0 : i32
      %dma_wait3A_324 = tpu.memref_slice %arg6[%dma_wait3A_322, %dma_wait3A_323] : memref<64x128xf32, #tpu.memory_space<vmem_shared>> -> memref<64x128xf32, #tpu.memory_space<vmem_shared>>
      tpu.wait_indirect_dma semaphore(%arg10 : memref<!tpu.dma_semaphore, #tpu.memory_space<semaphore_mem>>) src(%dma_wait3A_324 : memref<64x128xf32, #tpu.memory_space<vmem_shared>>) dst(%dma_wait3A_318 : memref<128x128xf32, #tpu.memory_space<vmem>>)
      %dma_wait3A_325 = arith.constant 1 : i32
      %dma_wait3A_326 = arith.constant 1 : i32
      %dma_wait3A_327 = arith.constant 128 : i32
      %dma_wait3A_328 = arith.constant 0 : i32
      %dma_wait3A_329 = tpu.memref_slice %arg8[%dma_wait3A_326, %dma_wait3A_327, %dma_wait3A_328] : memref<2x256x128xf32, #tpu.memory_space<vmem>> -> memref<1x128x128xf32, #tpu.memory_space<vmem>>
      %dma_wait3A_330 = tpu.memref_squeeze %dma_wait3A_329 : memref<1x128x128xf32, #tpu.memory_space<vmem>> -> memref<128x128xf32, #tpu.memory_space<vmem>>
      %dma_wait3A_331 = arith.constant 128 : i32
      %dma_wait3A_332 = tpu.memref_slice %arg7[%dma_wait3A_325, %dma_wait3A_331] : memref<2x256xi32, #tpu.memory_space<vmem>> -> memref<1x128xi32, #tpu.memory_space<vmem>>
      %dma_wait3A_333 = tpu.memref_squeeze %dma_wait3A_332 : memref<1x128xi32, #tpu.memory_space<vmem>> -> memref<128xi32, #tpu.memory_space<vmem>>
      %dma_wait3A_334 = arith.constant 0 : i32
      %dma_wait3A_335 = arith.constant 0 : i32
      %dma_wait3A_336 = tpu.memref_slice %arg6[%dma_wait3A_334, %dma_wait3A_335] : memref<64x128xf32, #tpu.memory_space<vmem_shared>> -> memref<64x128xf32, #tpu.memory_space<vmem_shared>>
      tpu.wait_indirect_dma semaphore(%arg10 : memref<!tpu.dma_semaphore, #tpu.memory_space<semaphore_mem>>) src(%dma_wait3A_336 : memref<64x128xf32, #tpu.memory_space<vmem_shared>>) dst(%dma_wait3A_330 : memref<128x128xf32, #tpu.memory_space<vmem>>)
      %sub3A_337 = arith.constant 1 : i32
      %sub3A_338 = arith.subi %mul3A_255, %sub3A_337 : i32
      %mul3A_339 = arith.constant 256 : i32
      %mul3A_340 = arith.muli %sub3A_338, %mul3A_339 : i32
      %add3A_341 = arith.addi %mul3A_2, %mul3A_340 : i32
      %dma_start3A_342 = arith.constant 1 : i32
      %dma_start3A_343 = arith.constant 0 : i32
      %dma_start3A_344 = arith.constant 0 : i32
      %dma_start3A_345 = tpu.memref_slice %arg8[%dma_start3A_342, %dma_start3A_343, %dma_start3A_344] : memref<2x256x128xf32, #tpu.memory_space<vmem>> -> memref<1x256x128xf32, #tpu.memory_space<vmem>>
      %dma_start3A_346 = tpu.memref_squeeze %dma_start3A_345 : memref<1x256x128xf32, #tpu.memory_space<vmem>> -> memref<256x128xf32, #tpu.memory_space<vmem>>
      %dma_start3A_347 = arith.constant 0 : i32
      %dma_start3A_348 = tpu.memref_slice %arg4[%add3A_341, %dma_start3A_347] : memref<3276800x128xf32, #tpu.memory_space<hbm>> -> memref<256x128xf32, #tpu.memory_space<hbm>>
      %dma_start3A_349 = arith.constant 0 : i32
      %dma_start3A_350 = tpu.memref_slice %arg4[%add3A_341, %dma_start3A_349] : memref<3276800x128xf32, #tpu.memory_space<hbm>> -> memref<256x128xf32, #tpu.memory_space<hbm>>
      %dma_start3A_351 = arith.constant 0 : i32
      %dma_start3A_352 = arith.constant 0 : i32
      %dma_start3A_353 = tpu.memref_slice %arg8[%dma_start3A_342, %dma_start3A_351, %dma_start3A_352] : memref<2x256x128xf32, #tpu.memory_space<vmem>> -> memref<1x256x128xf32, #tpu.memory_space<vmem>>
      %dma_start3A_354 = tpu.memref_squeeze %dma_start3A_353 : memref<1x256x128xf32, #tpu.memory_space<vmem>> -> memref<256x128xf32, #tpu.memory_space<vmem>>
      tpu.enqueue_dma source(%dma_start3A_354 : memref<256x128xf32, #tpu.memory_space<vmem>>) target(%dma_start3A_350 : memref<256x128xf32, #tpu.memory_space<hbm>>) target_semaphore(%arg12 : memref<!tpu.dma_semaphore, #tpu.memory_space<semaphore_mem>>)
      %rem3A_355 = arith.constant 400 : i32
      %rem3A_356 = arith.remsi %add3A_257, %rem3A_355 : i32
      %mul3A_357 = arith.constant 256 : i32
      %mul3A_358 = arith.muli %rem3A_356, %mul3A_357 : i32
      %add3A_359 = arith.addi %mul3A_2, %mul3A_358 : i32
      %dma_start3A_360 = arith.constant 1 : i32
      %dma_start3A_361 = arith.constant 0 : i32
      %dma_start3A_362 = tpu.memref_slice %arg7[%dma_start3A_360, %dma_start3A_361] : memref<2x256xi32, #tpu.memory_space<vmem>> -> memref<1x256xi32, #tpu.memory_space<vmem>>
      %dma_start3A_363 = tpu.memref_squeeze %dma_start3A_362 : memref<1x256xi32, #tpu.memory_space<vmem>> -> memref<256xi32, #tpu.memory_space<vmem>>
      %dma_start3A_364 = tpu.memref_slice %arg3[%add3A_359] : memref<3276800xi32, #tpu.memory_space<hbm>> -> memref<256xi32, #tpu.memory_space<hbm>>
      %dma_start3A_365 = arith.constant 0 : i32
      %dma_start3A_366 = tpu.memref_slice %arg7[%dma_start3A_360, %dma_start3A_365] : memref<2x256xi32, #tpu.memory_space<vmem>> -> memref<1x256xi32, #tpu.memory_space<vmem>>
      %dma_start3A_367 = tpu.memref_squeeze %dma_start3A_366 : memref<1x256xi32, #tpu.memory_space<vmem>> -> memref<256xi32, #tpu.memory_space<vmem>>
      %dma_start3A_368 = tpu.memref_slice %arg3[%add3A_359] : memref<3276800xi32, #tpu.memory_space<hbm>> -> memref<256xi32, #tpu.memory_space<hbm>>
      tpu.enqueue_dma source(%dma_start3A_368 : memref<256xi32, #tpu.memory_space<hbm>>) target(%dma_start3A_367 : memref<256xi32, #tpu.memory_space<vmem>>) target_semaphore(%arg14 : memref<!tpu.dma_semaphore, #tpu.memory_space<semaphore_mem>>)
      %sub3A_369 = arith.constant 2 : i32
      %sub3A_370 = arith.subi %add3A_257, %sub3A_369 : i32
      %mul3A_371 = arith.constant 256 : i32
      %mul3A_372 = arith.muli %sub3A_370, %mul3A_371 : i32
      %add3A_373 = arith.addi %mul3A_2, %mul3A_372 : i32
      %dma_wait3A_374 = arith.constant 1 : i32
      %dma_wait3A_375 = arith.constant 0 : i32
      %dma_wait3A_376 = arith.constant 0 : i32
      %dma_wait3A_377 = tpu.memref_slice %arg8[%dma_wait3A_374, %dma_wait3A_375, %dma_wait3A_376] : memref<2x256x128xf32, #tpu.memory_space<vmem>> -> memref<1x256x128xf32, #tpu.memory_space<vmem>>
      %dma_wait3A_378 = tpu.memref_squeeze %dma_wait3A_377 : memref<1x256x128xf32, #tpu.memory_space<vmem>> -> memref<256x128xf32, #tpu.memory_space<vmem>>
      %dma_wait3A_379 = arith.constant 0 : i32
      %dma_wait3A_380 = tpu.memref_slice %arg4[%add3A_373, %dma_wait3A_379] : memref<3276800x128xf32, #tpu.memory_space<hbm>> -> memref<256x128xf32, #tpu.memory_space<hbm>>
      %dma_wait3A_381 = arith.constant 0 : i32
      %dma_wait3A_382 = tpu.memref_slice %arg4[%add3A_373, %dma_wait3A_381] : memref<3276800x128xf32, #tpu.memory_space<hbm>> -> memref<256x128xf32, #tpu.memory_space<hbm>>
      %dma_wait3A_383 = arith.constant 0 : i32
      %dma_wait3A_384 = arith.constant 0 : i32
      %dma_wait3A_385 = tpu.memref_slice %arg8[%dma_wait3A_374, %dma_wait3A_383, %dma_wait3A_384] : memref<2x256x128xf32, #tpu.memory_space<vmem>> -> memref<1x256x128xf32, #tpu.memory_space<vmem>>
      %dma_wait3A_386 = tpu.memref_squeeze %dma_wait3A_385 : memref<1x256x128xf32, #tpu.memory_space<vmem>> -> memref<256x128xf32, #tpu.memory_space<vmem>>
      tpu.wait_dma2 semaphore(%arg12 : memref<!tpu.dma_semaphore, #tpu.memory_space<semaphore_mem>>) src(%dma_wait3A_386 : memref<256x128xf32, #tpu.memory_space<vmem>>) dst(%dma_wait3A_382 : memref<256x128xf32, #tpu.memory_space<hbm>>)
      %rem3A_387 = arith.constant 400 : i32
      %rem3A_388 = arith.remsi %add3A_257, %rem3A_387 : i32
      %mul3A_389 = arith.constant 256 : i32
      %mul3A_390 = arith.muli %rem3A_388, %mul3A_389 : i32
      %add3A_391 = arith.addi %mul3A_2, %mul3A_390 : i32
      %dma_wait3A_392 = arith.constant 1 : i32
      %dma_wait3A_393 = arith.constant 0 : i32
      %dma_wait3A_394 = tpu.memref_slice %arg7[%dma_wait3A_392, %dma_wait3A_393] : memref<2x256xi32, #tpu.memory_space<vmem>> -> memref<1x256xi32, #tpu.memory_space<vmem>>
      %dma_wait3A_395 = tpu.memref_squeeze %dma_wait3A_394 : memref<1x256xi32, #tpu.memory_space<vmem>> -> memref<256xi32, #tpu.memory_space<vmem>>
      %dma_wait3A_396 = tpu.memref_slice %arg3[%add3A_391] : memref<3276800xi32, #tpu.memory_space<hbm>> -> memref<256xi32, #tpu.memory_space<hbm>>
      %dma_wait3A_397 = arith.constant 0 : i32
      %dma_wait3A_398 = tpu.memref_slice %arg7[%dma_wait3A_392, %dma_wait3A_397] : memref<2x256xi32, #tpu.memory_space<vmem>> -> memref<1x256xi32, #tpu.memory_space<vmem>>
      %dma_wait3A_399 = tpu.memref_squeeze %dma_wait3A_398 : memref<1x256xi32, #tpu.memory_space<vmem>> -> memref<256xi32, #tpu.memory_space<vmem>>
      %dma_wait3A_400 = tpu.memref_slice %arg3[%add3A_391] : memref<3276800xi32, #tpu.memory_space<hbm>> -> memref<256xi32, #tpu.memory_space<hbm>>
      tpu.wait_dma2 semaphore(%arg14 : memref<!tpu.dma_semaphore, #tpu.memory_space<semaphore_mem>>) src(%dma_wait3A_400 : memref<256xi32, #tpu.memory_space<hbm>>) dst(%dma_wait3A_399 : memref<256xi32, #tpu.memory_space<vmem>>)
      %dma_start3A_401 = arith.constant 1 : i32
      %dma_start3A_402 = arith.constant 1 : i32
      %dma_start3A_403 = arith.constant 0 : i32
      %dma_start3A_404 = arith.constant 0 : i32
      %dma_start3A_405 = tpu.memref_slice %arg8[%dma_start3A_402, %dma_start3A_403, %dma_start3A_404] : memref<2x256x128xf32, #tpu.memory_space<vmem>> -> memref<1x128x128xf32, #tpu.memory_space<vmem>>
      %dma_start3A_406 = tpu.memref_squeeze %dma_start3A_405 : memref<1x128x128xf32, #tpu.memory_space<vmem>> -> memref<128x128xf32, #tpu.memory_space<vmem>>
      %dma_start3A_407 = arith.constant 0 : i32
      %dma_start3A_408 = tpu.memref_slice %arg7[%dma_start3A_401, %dma_start3A_407] : memref<2x256xi32, #tpu.memory_space<vmem>> -> memref<1x128xi32, #tpu.memory_space<vmem>>
      %dma_start3A_409 = tpu.memref_squeeze %dma_start3A_408 : memref<1x128xi32, #tpu.memory_space<vmem>> -> memref<128xi32, #tpu.memory_space<vmem>>
      %dma_start3A_410 = arith.constant 0 : i32
      %dma_start3A_411 = arith.constant 0 : i32
      %dma_start3A_412 = tpu.memref_slice %arg6[%dma_start3A_410, %dma_start3A_411] : memref<64x128xf32, #tpu.memory_space<vmem_shared>> -> memref<64x128xf32, #tpu.memory_space<vmem_shared>>
      tpu.enqueue_indirect_dma source(%dma_start3A_412 : memref<64x128xf32, #tpu.memory_space<vmem_shared>>) target(%dma_start3A_406 : memref<128x128xf32, #tpu.memory_space<vmem>>) offsets(%dma_start3A_409 : memref<128xi32, #tpu.memory_space<vmem>>) semaphore(%arg10 : memref<!tpu.dma_semaphore, #tpu.memory_space<semaphore_mem>>)
      %dma_start3A_413 = arith.constant 1 : i32
      %dma_start3A_414 = arith.constant 1 : i32
      %dma_start3A_415 = arith.constant 128 : i32
      %dma_start3A_416 = arith.constant 0 : i32
      %dma_start3A_417 = tpu.memref_slice %arg8[%dma_start3A_414, %dma_start3A_415, %dma_start3A_416] : memref<2x256x128xf32, #tpu.memory_space<vmem>> -> memref<1x128x128xf32, #tpu.memory_space<vmem>>
      %dma_start3A_418 = tpu.memref_squeeze %dma_start3A_417 : memref<1x128x128xf32, #tpu.memory_space<vmem>> -> memref<128x128xf32, #tpu.memory_space<vmem>>
      %dma_start3A_419 = arith.constant 128 : i32
      %dma_start3A_420 = tpu.memref_slice %arg7[%dma_start3A_413, %dma_start3A_419] : memref<2x256xi32, #tpu.memory_space<vmem>> -> memref<1x128xi32, #tpu.memory_space<vmem>>
      %dma_start3A_421 = tpu.memref_squeeze %dma_start3A_420 : memref<1x128xi32, #tpu.memory_space<vmem>> -> memref<128xi32, #tpu.memory_space<vmem>>
      %dma_start3A_422 = arith.constant 0 : i32
      %dma_start3A_423 = arith.constant 0 : i32
      %dma_start3A_424 = tpu.memref_slice %arg6[%dma_start3A_422, %dma_start3A_423] : memref<64x128xf32, #tpu.memory_space<vmem_shared>> -> memref<64x128xf32, #tpu.memory_space<vmem_shared>>
      tpu.enqueue_indirect_dma source(%dma_start3A_424 : memref<64x128xf32, #tpu.memory_space<vmem_shared>>) target(%dma_start3A_418 : memref<128x128xf32, #tpu.memory_space<vmem>>) offsets(%dma_start3A_421 : memref<128xi32, #tpu.memory_space<vmem>>) semaphore(%arg10 : memref<!tpu.dma_semaphore, #tpu.memory_space<semaphore_mem>>)
      %dma_wait3A_425 = arith.constant 0 : i32
      %dma_wait3A_426 = arith.constant 0 : i32
      %dma_wait3A_427 = arith.constant 0 : i32
      %dma_wait3A_428 = arith.constant 0 : i32
      %dma_wait3A_429 = tpu.memref_slice %arg8[%dma_wait3A_426, %dma_wait3A_427, %dma_wait3A_428] : memref<2x256x128xf32, #tpu.memory_space<vmem>> -> memref<1x128x128xf32, #tpu.memory_space<vmem>>
      %dma_wait3A_430 = tpu.memref_squeeze %dma_wait3A_429 : memref<1x128x128xf32, #tpu.memory_space<vmem>> -> memref<128x128xf32, #tpu.memory_space<vmem>>
      %dma_wait3A_431 = arith.constant 0 : i32
      %dma_wait3A_432 = tpu.memref_slice %arg7[%dma_wait3A_425, %dma_wait3A_431] : memref<2x256xi32, #tpu.memory_space<vmem>> -> memref<1x128xi32, #tpu.memory_space<vmem>>
      %dma_wait3A_433 = tpu.memref_squeeze %dma_wait3A_432 : memref<1x128xi32, #tpu.memory_space<vmem>> -> memref<128xi32, #tpu.memory_space<vmem>>
      %dma_wait3A_434 = arith.constant 0 : i32
      %dma_wait3A_435 = arith.constant 0 : i32
      %dma_wait3A_436 = tpu.memref_slice %arg6[%dma_wait3A_434, %dma_wait3A_435] : memref<64x128xf32, #tpu.memory_space<vmem_shared>> -> memref<64x128xf32, #tpu.memory_space<vmem_shared>>
      tpu.wait_indirect_dma semaphore(%arg9 : memref<!tpu.dma_semaphore, #tpu.memory_space<semaphore_mem>>) src(%dma_wait3A_436 : memref<64x128xf32, #tpu.memory_space<vmem_shared>>) dst(%dma_wait3A_430 : memref<128x128xf32, #tpu.memory_space<vmem>>)
      %dma_wait3A_437 = arith.constant 0 : i32
      %dma_wait3A_438 = arith.constant 0 : i32
      %dma_wait3A_439 = arith.constant 128 : i32
      %dma_wait3A_440 = arith.constant 0 : i32
      %dma_wait3A_441 = tpu.memref_slice %arg8[%dma_wait3A_438, %dma_wait3A_439, %dma_wait3A_440] : memref<2x256x128xf32, #tpu.memory_space<vmem>> -> memref<1x128x128xf32, #tpu.memory_space<vmem>>
      %dma_wait3A_442 = tpu.memref_squeeze %dma_wait3A_441 : memref<1x128x128xf32, #tpu.memory_space<vmem>> -> memref<128x128xf32, #tpu.memory_space<vmem>>
      %dma_wait3A_443 = arith.constant 128 : i32
      %dma_wait3A_444 = tpu.memref_slice %arg7[%dma_wait3A_437, %dma_wait3A_443] : memref<2x256xi32, #tpu.memory_space<vmem>> -> memref<1x128xi32, #tpu.memory_space<vmem>>
      %dma_wait3A_445 = tpu.memref_squeeze %dma_wait3A_444 : memref<1x128xi32, #tpu.memory_space<vmem>> -> memref<128xi32, #tpu.memory_space<vmem>>
      %dma_wait3A_446 = arith.constant 0 : i32
      %dma_wait3A_447 = arith.constant 0 : i32
      %dma_wait3A_448 = tpu.memref_slice %arg6[%dma_wait3A_446, %dma_wait3A_447] : memref<64x128xf32, #tpu.memory_space<vmem_shared>> -> memref<64x128xf32, #tpu.memory_space<vmem_shared>>
      tpu.wait_indirect_dma semaphore(%arg9 : memref<!tpu.dma_semaphore, #tpu.memory_space<semaphore_mem>>) src(%dma_wait3A_448 : memref<64x128xf32, #tpu.memory_space<vmem_shared>>) dst(%dma_wait3A_442 : memref<128x128xf32, #tpu.memory_space<vmem>>)
      %mul3A_449 = arith.constant 256 : i32
      %mul3A_450 = arith.muli %mul3A_255, %mul3A_449 : i32
      %add3A_451 = arith.addi %mul3A_2, %mul3A_450 : i32
      %dma_start3A_452 = arith.constant 0 : i32
      %dma_start3A_453 = arith.constant 0 : i32
      %dma_start3A_454 = arith.constant 0 : i32
      %dma_start3A_455 = tpu.memref_slice %arg8[%dma_start3A_452, %dma_start3A_453, %dma_start3A_454] : memref<2x256x128xf32, #tpu.memory_space<vmem>> -> memref<1x256x128xf32, #tpu.memory_space<vmem>>
      %dma_start3A_456 = tpu.memref_squeeze %dma_start3A_455 : memref<1x256x128xf32, #tpu.memory_space<vmem>> -> memref<256x128xf32, #tpu.memory_space<vmem>>
      %dma_start3A_457 = arith.constant 0 : i32
      %dma_start3A_458 = tpu.memref_slice %arg4[%add3A_451, %dma_start3A_457] : memref<3276800x128xf32, #tpu.memory_space<hbm>> -> memref<256x128xf32, #tpu.memory_space<hbm>>
      %dma_start3A_459 = arith.constant 0 : i32
      %dma_start3A_460 = tpu.memref_slice %arg4[%add3A_451, %dma_start3A_459] : memref<3276800x128xf32, #tpu.memory_space<hbm>> -> memref<256x128xf32, #tpu.memory_space<hbm>>
      %dma_start3A_461 = arith.constant 0 : i32
      %dma_start3A_462 = arith.constant 0 : i32
      %dma_start3A_463 = tpu.memref_slice %arg8[%dma_start3A_452, %dma_start3A_461, %dma_start3A_462] : memref<2x256x128xf32, #tpu.memory_space<vmem>> -> memref<1x256x128xf32, #tpu.memory_space<vmem>>
      %dma_start3A_464 = tpu.memref_squeeze %dma_start3A_463 : memref<1x256x128xf32, #tpu.memory_space<vmem>> -> memref<256x128xf32, #tpu.memory_space<vmem>>
      tpu.enqueue_dma source(%dma_start3A_464 : memref<256x128xf32, #tpu.memory_space<vmem>>) target(%dma_start3A_460 : memref<256x128xf32, #tpu.memory_space<hbm>>) target_semaphore(%arg11 : memref<!tpu.dma_semaphore, #tpu.memory_space<semaphore_mem>>)
      %add3A_465 = arith.constant 2 : i32
      %add3A_466 = arith.addi %mul3A_255, %add3A_465 : i32
      %rem3A_467 = arith.constant 400 : i32
      %rem3A_468 = arith.remsi %add3A_466, %rem3A_467 : i32
      %mul3A_469 = arith.constant 256 : i32
      %mul3A_470 = arith.muli %rem3A_468, %mul3A_469 : i32
      %add3A_471 = arith.addi %mul3A_2, %mul3A_470 : i32
      %dma_start3A_472 = arith.constant 0 : i32
      %dma_start3A_473 = arith.constant 0 : i32
      %dma_start3A_474 = tpu.memref_slice %arg7[%dma_start3A_472, %dma_start3A_473] : memref<2x256xi32, #tpu.memory_space<vmem>> -> memref<1x256xi32, #tpu.memory_space<vmem>>
      %dma_start3A_475 = tpu.memref_squeeze %dma_start3A_474 : memref<1x256xi32, #tpu.memory_space<vmem>> -> memref<256xi32, #tpu.memory_space<vmem>>
      %dma_start3A_476 = tpu.memref_slice %arg3[%add3A_471] : memref<3276800xi32, #tpu.memory_space<hbm>> -> memref<256xi32, #tpu.memory_space<hbm>>
      %dma_start3A_477 = arith.constant 0 : i32
      %dma_start3A_478 = tpu.memref_slice %arg7[%dma_start3A_472, %dma_start3A_477] : memref<2x256xi32, #tpu.memory_space<vmem>> -> memref<1x256xi32, #tpu.memory_space<vmem>>
      %dma_start3A_479 = tpu.memref_squeeze %dma_start3A_478 : memref<1x256xi32, #tpu.memory_space<vmem>> -> memref<256xi32, #tpu.memory_space<vmem>>
      %dma_start3A_480 = tpu.memref_slice %arg3[%add3A_471] : memref<3276800xi32, #tpu.memory_space<hbm>> -> memref<256xi32, #tpu.memory_space<hbm>>
      tpu.enqueue_dma source(%dma_start3A_480 : memref<256xi32, #tpu.memory_space<hbm>>) target(%dma_start3A_479 : memref<256xi32, #tpu.memory_space<vmem>>) target_semaphore(%arg13 : memref<!tpu.dma_semaphore, #tpu.memory_space<semaphore_mem>>)
    }
    %scan3A_168 = arith.constant 199 : i32
    %dma_wait3A_169 = arith.constant 1 : i32
    %dma_wait3A_170 = arith.constant 1 : i32
    %dma_wait3A_171 = arith.constant 0 : i32
    %dma_wait3A_172 = arith.constant 0 : i32
    %dma_wait3A_173 = tpu.memref_slice %arg8[%dma_wait3A_170, %dma_wait3A_171, %dma_wait3A_172] : memref<2x256x128xf32, #tpu.memory_space<vmem>> -> memref<1x128x128xf32, #tpu.memory_space<vmem>>
    %dma_wait3A_174 = tpu.memref_squeeze %dma_wait3A_173 : memref<1x128x128xf32, #tpu.memory_space<vmem>> -> memref<128x128xf32, #tpu.memory_space<vmem>>
    %dma_wait3A_175 = arith.constant 0 : i32
    %dma_wait3A_176 = tpu.memref_slice %arg7[%dma_wait3A_169, %dma_wait3A_175] : memref<2x256xi32, #tpu.memory_space<vmem>> -> memref<1x128xi32, #tpu.memory_space<vmem>>
    %dma_wait3A_177 = tpu.memref_squeeze %dma_wait3A_176 : memref<1x128xi32, #tpu.memory_space<vmem>> -> memref<128xi32, #tpu.memory_space<vmem>>
    %dma_wait3A_178 = arith.constant 0 : i32
    %dma_wait3A_179 = arith.constant 0 : i32
    %dma_wait3A_180 = tpu.memref_slice %arg6[%dma_wait3A_178, %dma_wait3A_179] : memref<64x128xf32, #tpu.memory_space<vmem_shared>> -> memref<64x128xf32, #tpu.memory_space<vmem_shared>>
    tpu.wait_indirect_dma semaphore(%arg10 : memref<!tpu.dma_semaphore, #tpu.memory_space<semaphore_mem>>) src(%dma_wait3A_180 : memref<64x128xf32, #tpu.memory_space<vmem_shared>>) dst(%dma_wait3A_174 : memref<128x128xf32, #tpu.memory_space<vmem>>)
    %dma_wait3A_181 = arith.constant 1 : i32
    %dma_wait3A_182 = arith.constant 1 : i32
    %dma_wait3A_183 = arith.constant 128 : i32
    %dma_wait3A_184 = arith.constant 0 : i32
    %dma_wait3A_185 = tpu.memref_slice %arg8[%dma_wait3A_182, %dma_wait3A_183, %dma_wait3A_184] : memref<2x256x128xf32, #tpu.memory_space<vmem>> -> memref<1x128x128xf32, #tpu.memory_space<vmem>>
    %dma_wait3A_186 = tpu.memref_squeeze %dma_wait3A_185 : memref<1x128x128xf32, #tpu.memory_space<vmem>> -> memref<128x128xf32, #tpu.memory_space<vmem>>
    %dma_wait3A_187 = arith.constant 128 : i32
    %dma_wait3A_188 = tpu.memref_slice %arg7[%dma_wait3A_181, %dma_wait3A_187] : memref<2x256xi32, #tpu.memory_space<vmem>> -> memref<1x128xi32, #tpu.memory_space<vmem>>
    %dma_wait3A_189 = tpu.memref_squeeze %dma_wait3A_188 : memref<1x128xi32, #tpu.memory_space<vmem>> -> memref<128xi32, #tpu.memory_space<vmem>>
    %dma_wait3A_190 = arith.constant 0 : i32
    %dma_wait3A_191 = arith.constant 0 : i32
    %dma_wait3A_192 = tpu.memref_slice %arg6[%dma_wait3A_190, %dma_wait3A_191] : memref<64x128xf32, #tpu.memory_space<vmem_shared>> -> memref<64x128xf32, #tpu.memory_space<vmem_shared>>
    tpu.wait_indirect_dma semaphore(%arg10 : memref<!tpu.dma_semaphore, #tpu.memory_space<semaphore_mem>>) src(%dma_wait3A_192 : memref<64x128xf32, #tpu.memory_space<vmem_shared>>) dst(%dma_wait3A_186 : memref<128x128xf32, #tpu.memory_space<vmem>>)
    %add3A_193 = arith.constant 102144 : i32
    %add3A_194 = arith.addi %mul3A_2, %add3A_193 : i32
    %dma_start3A_195 = arith.constant 1 : i32
    %dma_start3A_196 = arith.constant 0 : i32
    %dma_start3A_197 = arith.constant 0 : i32
    %dma_start3A_198 = tpu.memref_slice %arg8[%dma_start3A_195, %dma_start3A_196, %dma_start3A_197] : memref<2x256x128xf32, #tpu.memory_space<vmem>> -> memref<1x256x128xf32, #tpu.memory_space<vmem>>
    %dma_start3A_199 = tpu.memref_squeeze %dma_start3A_198 : memref<1x256x128xf32, #tpu.memory_space<vmem>> -> memref<256x128xf32, #tpu.memory_space<vmem>>
    %dma_start3A_200 = arith.constant 0 : i32
    %dma_start3A_201 = tpu.memref_slice %arg4[%add3A_194, %dma_start3A_200] : memref<3276800x128xf32, #tpu.memory_space<hbm>> -> memref<256x128xf32, #tpu.memory_space<hbm>>
    %dma_start3A_202 = arith.constant 0 : i32
    %dma_start3A_203 = tpu.memref_slice %arg4[%add3A_194, %dma_start3A_202] : memref<3276800x128xf32, #tpu.memory_space<hbm>> -> memref<256x128xf32, #tpu.memory_space<hbm>>
    %dma_start3A_204 = arith.constant 0 : i32
    %dma_start3A_205 = arith.constant 0 : i32
    %dma_start3A_206 = tpu.memref_slice %arg8[%dma_start3A_195, %dma_start3A_204, %dma_start3A_205] : memref<2x256x128xf32, #tpu.memory_space<vmem>> -> memref<1x256x128xf32, #tpu.memory_space<vmem>>
    %dma_start3A_207 = tpu.memref_squeeze %dma_start3A_206 : memref<1x256x128xf32, #tpu.memory_space<vmem>> -> memref<256x128xf32, #tpu.memory_space<vmem>>
    tpu.enqueue_dma source(%dma_start3A_207 : memref<256x128xf32, #tpu.memory_space<vmem>>) target(%dma_start3A_203 : memref<256x128xf32, #tpu.memory_space<hbm>>) target_semaphore(%arg12 : memref<!tpu.dma_semaphore, #tpu.memory_space<semaphore_mem>>)
    %rem3A_208 = arith.constant 400 : i32
    %rem3A_209 = arith.constant 400 : i32
    %rem3A_210 = arith.remsi %rem3A_208, %rem3A_209 : i32
    %mul3A_211 = arith.constant 256 : i32
    %mul3A_212 = arith.muli %rem3A_210, %mul3A_211 : i32
    %add3A_213 = arith.addi %mul3A_2, %mul3A_212 : i32
    %dma_wait3A_214 = arith.constant 0 : i32
    %dma_wait3A_215 = arith.constant 0 : i32
    %dma_wait3A_216 = tpu.memref_slice %arg7[%dma_wait3A_214, %dma_wait3A_215] : memref<2x256xi32, #tpu.memory_space<vmem>> -> memref<1x256xi32, #tpu.memory_space<vmem>>
    %dma_wait3A_217 = tpu.memref_squeeze %dma_wait3A_216 : memref<1x256xi32, #tpu.memory_space<vmem>> -> memref<256xi32, #tpu.memory_space<vmem>>
    %dma_wait3A_218 = tpu.memref_slice %arg3[%add3A_213] : memref<3276800xi32, #tpu.memory_space<hbm>> -> memref<256xi32, #tpu.memory_space<hbm>>
    %dma_wait3A_219 = arith.constant 0 : i32
    %dma_wait3A_220 = tpu.memref_slice %arg7[%dma_wait3A_214, %dma_wait3A_219] : memref<2x256xi32, #tpu.memory_space<vmem>> -> memref<1x256xi32, #tpu.memory_space<vmem>>
    %dma_wait3A_221 = tpu.memref_squeeze %dma_wait3A_220 : memref<1x256xi32, #tpu.memory_space<vmem>> -> memref<256xi32, #tpu.memory_space<vmem>>
    %dma_wait3A_222 = tpu.memref_slice %arg3[%add3A_213] : memref<3276800xi32, #tpu.memory_space<hbm>> -> memref<256xi32, #tpu.memory_space<hbm>>
    tpu.wait_dma2 semaphore(%arg13 : memref<!tpu.dma_semaphore, #tpu.memory_space<semaphore_mem>>) src(%dma_wait3A_222 : memref<256xi32, #tpu.memory_space<hbm>>) dst(%dma_wait3A_221 : memref<256xi32, #tpu.memory_space<vmem>>)
    %add3A_223 = arith.constant 101888 : i32
    %add3A_224 = arith.addi %mul3A_2, %add3A_223 : i32
    %dma_wait3A_225 = arith.constant 0 : i32
    %dma_wait3A_226 = arith.constant 0 : i32
    %dma_wait3A_227 = arith.constant 0 : i32
    %dma_wait3A_228 = tpu.memref_slice %arg8[%dma_wait3A_225, %dma_wait3A_226, %dma_wait3A_227] : memref<2x256x128xf32, #tpu.memory_space<vmem>> -> memref<1x256x128xf32, #tpu.memory_space<vmem>>
    %dma_wait3A_229 = tpu.memref_squeeze %dma_wait3A_228 : memref<1x256x128xf32, #tpu.memory_space<vmem>> -> memref<256x128xf32, #tpu.memory_space<vmem>>
    %dma_wait3A_230 = arith.constant 0 : i32
    %dma_wait3A_231 = tpu.memref_slice %arg4[%add3A_224, %dma_wait3A_230] : memref<3276800x128xf32, #tpu.memory_space<hbm>> -> memref<256x128xf32, #tpu.memory_space<hbm>>
    %dma_wait3A_232 = arith.constant 0 : i32
    %dma_wait3A_233 = tpu.memref_slice %arg4[%add3A_224, %dma_wait3A_232] : memref<3276800x128xf32, #tpu.memory_space<hbm>> -> memref<256x128xf32, #tpu.memory_space<hbm>>
    %dma_wait3A_234 = arith.constant 0 : i32
    %dma_wait3A_235 = arith.constant 0 : i32
    %dma_wait3A_236 = tpu.memref_slice %arg8[%dma_wait3A_225, %dma_wait3A_234, %dma_wait3A_235] : memref<2x256x128xf32, #tpu.memory_space<vmem>> -> memref<1x256x128xf32, #tpu.memory_space<vmem>>
    %dma_wait3A_237 = tpu.memref_squeeze %dma_wait3A_236 : memref<1x256x128xf32, #tpu.memory_space<vmem>> -> memref<256x128xf32, #tpu.memory_space<vmem>>
    tpu.wait_dma2 semaphore(%arg11 : memref<!tpu.dma_semaphore, #tpu.memory_space<semaphore_mem>>) src(%dma_wait3A_237 : memref<256x128xf32, #tpu.memory_space<vmem>>) dst(%dma_wait3A_233 : memref<256x128xf32, #tpu.memory_space<hbm>>)
    %add3A_238 = arith.constant 102144 : i32
    %add3A_239 = arith.addi %mul3A_2, %add3A_238 : i32
    %dma_wait3A_240 = arith.constant 1 : i32
    %dma_wait3A_241 = arith.constant 0 : i32
    %dma_wait3A_242 = arith.constant 0 : i32
    %dma_wait3A_243 = tpu.memref_slice %arg8[%dma_wait3A_240, %dma_wait3A_241, %dma_wait3A_242] : memref<2x256x128xf32, #tpu.memory_space<vmem>> -> memref<1x256x128xf32, #tpu.memory_space<vmem>>
    %dma_wait3A_244 = tpu.memref_squeeze %dma_wait3A_243 : memref<1x256x128xf32, #tpu.memory_space<vmem>> -> memref<256x128xf32, #tpu.memory_space<vmem>>
    %dma_wait3A_245 = arith.constant 0 : i32
    %dma_wait3A_246 = tpu.memref_slice %arg4[%add3A_239, %dma_wait3A_245] : memref<3276800x128xf32, #tpu.memory_space<hbm>> -> memref<256x128xf32, #tpu.memory_space<hbm>>
    %dma_wait3A_247 = arith.constant 0 : i32
    %dma_wait3A_248 = tpu.memref_slice %arg4[%add3A_239, %dma_wait3A_247] : memref<3276800x128xf32, #tpu.memory_space<hbm>> -> memref<256x128xf32, #tpu.memory_space<hbm>>
    %dma_wait3A_249 = arith.constant 0 : i32
    %dma_wait3A_250 = arith.constant 0 : i32
    %dma_wait3A_251 = tpu.memref_slice %arg8[%dma_wait3A_240, %dma_wait3A_249, %dma_wait3A_250] : memref<2x256x128xf32, #tpu.memory_space<vmem>> -> memref<1x256x128xf32, #tpu.memory_space<vmem>>
    %dma_wait3A_252 = tpu.memref_squeeze %dma_wait3A_251 : memref<1x256x128xf32, #tpu.memory_space<vmem>> -> memref<256x128xf32, #tpu.memory_space<vmem>>
    tpu.wait_dma2 semaphore(%arg12 : memref<!tpu.dma_semaphore, #tpu.memory_space<semaphore_mem>>) src(%dma_wait3A_252 : memref<256x128xf32, #tpu.memory_space<vmem>>) dst(%dma_wait3A_248 : memref<256x128xf32, #tpu.memory_space<hbm>>)
    return
  }
}

</mosaic_0001>

<sc_bundles>
// kernel: kernel.3.cloned.1.call-start
scs
__scs_entry_jumppad:
0x0: {  	(pc) =	sbr.rel $0x88, $3  }
0x1: {  	(tag) =	ssettag $0x0;
	lr =	simm.s32 $0x1  }
0x2: {  	[smem:$0x3F9F] =	sst lr;
	_ =	strace $0xD0000000  }
0x3: {  	_ = 	snop  }
0x4: {  	_ = 	snop  }
0x5: {  	_ = 	snop  }
0x6: {  	_ = 	snop  }
0x7: {  	_ = 	snop  }
__scs_overlays_trampoline_lowered:
0x8: {  	[smem:$0x3FAE] =	sst s0  }
0x9: {  	[smem:$0x3FAF] =	sst s1  }
0xa: {  	[smem:$0x3FB0] =	sst s2  }
0xb: {  	[smem:$0x3FB1] =	sst s3  }
0xc: {  	[smem:$0x3FB2] =	sst s4  }
0xd: {  	[smem:$0x3FB3] =	sst s5  }
0xe: {  	[smem:$0x3FB4] =	sst s6  }
0xf: {  	[smem:$0x3FB5] =	sst s7  }
0x10: {  	[smem:$0x3FB6] =	sst s8  }
0x11: {  	[smem:$0x3FB7] =	sst s9;
	s0 =	simm.s32 @!p0 $0x0  }
0x12: {  	s1 =	sld [smem:$0x3F9D];
	s0 =	simm.s32 @p0 $0x1  }
0x13: {  	[smem:$0x3FB8] =	sst s0;
	s0 =	simm.s32 @!p1 $0x0  }
0x14: {  	s2 =	sld [smem:$0x3F9C];
	s0 =	simm.s32 @p1 $0x1  }
0x15: {  	[smem:$0x3FB9] =	sst s0;
	s0 =	simm.s32 @!p2 $0x0  }
0x16: {  	s3 =	sld [smem:$0x3FDB];
	s0 =	simm.s32 @p2 $0x1  }
0x17: {  	s4 =	simm.s32 $0x1BF5;
	[smem:$0x3FBB] =	sst s0  }
0x18: {  	s0 =	sld [smem:$0x3F9E];
	_ =	swait.ge [sflag:s4], $0x0  }
0x19: {  	s7 =	sld [smem:$0x3F9F]  }
0x1a: {  	s8 =	sadd.s32 $0xFFFFE003, lr  }
0x1b: {  	s9 =	sadd.s32 $0xFFFFFEF7, lr;
	s5 =	simm.s32 $0xFFFFFFFF;
	p2 =	slt.u32 s8, $0xFFFFF086  }
0x1c: {  	p1 =	slt.u32 s9, $0xF7A;
	s5 =	simm.s32 @!p2 $0x0  }
0x1d: {  	s5 =	simm.s32 @p1 $0x1;
	p0 =	seq.s32 s7, s2  }
0x1e: {  	s7 =	smul.u32 @!p0 $0xF7A, s2;
	p2 =	seq.s32 @!p0 s5, $0x0  }
0x1f: {  	s9 =	smul.u32 $0xF7A, s1;
	s8 =	simm.s32 @!p0 $0x1BF5;
	p2 =	por !p2, p0  }
0x20: {  	[sflag:s8] =	ssyncset.s32 @!p0 $0xFFFFF086;
	s6 =	sadd.s32 @!p0 s3, s7;
	s7 =	simm.s32 @!p0 $0x108  }
0x21: {  	s3 =	sadd.s32 s3, s9;
	s6 =	sadd.s32 @!p0 $0x88, s6;
	s7 =	simm.s32 @p2 $0x1082  }
0x22: {  	[simem:s7], [sflag:s8] =	dma.local @!p0 [hbm:s6], $0xF7A  }
0x23: {  	s9 =	sor.u32 $0xD0000000, s2;
	s6 =	simm.s32 $0x108;
	_ =	swait.ge @!p0 [sflag:s8], $0x0  }
0x24: {  	s3 =	sadd.s32 $0x88, s3;
	s6 =	simm.s32 @!p1 $0x1082;
	[sflag:s4] =	ssyncset.s32 $0xFFFFF086  }
0x25: {  	[simem:s6], [sflag:s4] =	dma.local [hbm:s3], $0xF7A  }
0x26: {  	[smem:$0x3F9F] =	sst s1;
	(tag) =	ssettag s2;
	_ =	strace s9  }
0x27: {  	s1 =	sld [smem:$0x3FAF]  }
0x28: {  	s2 =	sld [smem:$0x3FB0]  }
0x29: {  	s4 =	sld [smem:$0x3FB2]  }
0x2a: {  	p0 =	seq.s32 s5, $0x0;
	s5 =	sld [smem:$0x3FB3]  }
0x2b: {  	s6 =	sld [smem:$0x3FB4]  }
0x2c: {  	s7 =	sld [smem:$0x3FB5]  }
0x2d: {  	s3 =	simm.s32 $0x108;
	s8 =	sld [smem:$0x3FB6]  }
0x2e: {  	s3 =	simm.s32 @!p0 $0x1082;
	s9 =	sld [smem:$0x3FB7]  }
0x2f: {  	lr =	sadd.s32 s0, s3;
	s0 =	sld [smem:$0x3FAE]  }
0x30: {  	s3 =	sld [smem:$0x3FB1]  }
0x31: {  	[smem:$0x3FBA] =	sst s10  }
0x32: {  	s10 =	sld [smem:$0x3FB8];
	_ =	sdelay $0x3  }
0x33: {  	p0 =	seq.s32 s10, $0x1;
	s10 =	sld [smem:$0x3FBA];
	_ =	sdelay $0x3  }
0x34: {  	[smem:$0x3FBA] =	sst s10  }
0x35: {  	s10 =	sld [smem:$0x3FB9];
	_ =	sdelay $0x3  }
0x36: {  	p1 =	seq.s32 s10, $0x1;
	s10 =	sld [smem:$0x3FBA];
	_ =	sdelay $0x3  }
0x37: {  	[smem:$0x3FBA] =	sst s10  }
0x38: {  	s10 =	sld [smem:$0x3FBB]  }
0x39: {  	_ = 	snop;
	(pc) =	sbr.ind lr, $3  }
0x3a: {  	_ = 	snop  }
0x3b: {  	_ = 	snop  }
0x3c: {  	p2 =	seq.s32 s10, $0x1;
	s10 =	sld [smem:$0x3FBA]  }
0x3d: {  	_ =	shalt  }
0x3e: {  	_ =	shalt  }
0x3f: {  	_ =	shalt  }
0x40: {  	_ =	shalt  }
0x41: {  	_ =	shalt  }
0x42: {  	_ =	shalt  }
0x43: {  	_ =	shalt  }
0x44: {  	_ =	shalt  }
0x45: {  	_ =	shalt  }
0x46: {  	_ =	shalt  }
0x47: {  	_ =	shalt  }
0x48: {  	_ =	shalt  }
0x49: {  	_ =	shalt  }
0x4a: {  	_ =	shalt  }
0x4b: {  	_ =	shalt  }
0x4c: {  	_ =	shalt  }
0x4d: {  	_ =	shalt  }
0x4e: {  	_ =	shalt  }
0x4f: {  	_ =	shalt  }
0x50: {  	_ =	shalt  }
0x51: {  	_ =	shalt  }
0x52: {  	_ =	shalt  }
0x53: {  	_ =	shalt  }
0x54: {  	_ =	shalt  }
0x55: {  	_ =	shalt  }
0x56: {  	_ =	shalt  }
0x57: {  	_ =	shalt  }
0x58: {  	_ =	shalt  }
0x59: {  	_ =	shalt  }
0x5a: {  	_ =	shalt  }
0x5b: {  	_ =	shalt  }
0x5c: {  	_ =	shalt  }
0x5d: {  	_ =	shalt  }
0x5e: {  	_ =	shalt  }
0x5f: {  	_ =	shalt  }
0x60: {  	_ =	shalt  }
0x61: {  	_ =	shalt  }
0x62: {  	_ =	shalt  }
0x63: {  	_ =	shalt  }
0x64: {  	_ =	shalt  }
0x65: {  	_ =	shalt  }
0x66: {  	_ =	shalt  }
0x67: {  	_ =	shalt  }
0x68: {  	_ =	shalt  }
0x69: {  	_ =	shalt  }
0x6a: {  	_ =	shalt  }
0x6b: {  	_ =	shalt  }
0x6c: {  	_ =	shalt  }
0x6d: {  	_ =	shalt  }
0x6e: {  	_ =	shalt  }
0x6f: {  	_ =	shalt  }
0x70: {  	_ =	shalt  }
0x71: {  	_ =	shalt  }
0x72: {  	_ =	shalt  }
0x73: {  	_ =	shalt  }
0x74: {  	_ =	shalt  }
0x75: {  	_ =	shalt  }
0x76: {  	_ =	shalt  }
0x77: {  	_ =	shalt  }
0x78: {  	_ =	shalt  }
0x79: {  	_ =	shalt  }
0x7a: {  	_ =	shalt  }
0x7b: {  	_ =	shalt  }
0x7c: {  	_ =	shalt  }
0x7d: {  	_ =	shalt  }
0x7e: {  	_ =	shalt  }
0x7f: {  	_ =	shalt  }
0x80: {  	_ =	shalt  }
0x81: {  	_ =	shalt  }
0x82: {  	_ =	shalt  }
0x83: {  	_ =	shalt  }
0x84: {  	_ =	shalt  }
0x85: {  	_ =	shalt  }
0x86: {  	_ =	shalt  }
0x87: {  	_ =	shalt  }
.Lfunc_end0:
.L_simem_size_0:
called_computation_lowered:
.L_overlay_start_0:
0x88: {  	s2 =	sld [smem:$0x3FD9]  }
0x89: {  	s3 =	sld [smem:$0x3FFE];
	_ =	sdelay $0x1  }
0x8a: {  	s1 =	srdreg.scid  }
0x8b: {  	s0 =	sand.u32 $0x1, s1  }
0x8c: {  	s17 =	sshll.u32 s0, $0xA;
	s2 =	sadd.s32 s3, s2  }
0x8d: {  	s2 =	sadd.s32 s2, s17  }
0x8e: {  	[smem:$0x3FC6] =	sst s2  }
0x8f: {  	_ = 	snop  }
0x90: {  	s2 =	sld [smem:$0x3FC8]  }
0x91: {  	s18 =	sld [smem:$0x3FD0];
	(tm) =	ssettm $0x1  }
0x92: {  	s4 =	sld [smem:$0x3FFB];
	_ =	sdelay $0x3  }
0x93: {  	_ =	strace s4  }
0x94: {  	s4 =	sld [smem:$0x3FFC];
	_ =	sdelay $0x3  }
0x95: {  	_ =	strace s4  }
0x96: {  	s4 =	sld [smem:$0x3FFD];
	_ =	sdelay $0x3  }
0x97: {  	_ =	strace s4  }
0x98: {  	_ =	strace $0x8FFFFFFF  }
0x99: {  	s19 =	sld [smem:$0x3FDB];
	_ =	sdelay $0x1  }
0x9a: {  	s5 =	simm.s32 $_scs_section_size  }
0x9b: {  	s6 =	simm.s32 $_size__tile_overlayer_lowered;
	s7 =	simm.s32 $_tile_overlayer_lowered  }
0x9c: {  	s22 =	simm.s32 $0x1BFF;
	s21 =	sshll.u32 s7, $0x1;
	s4 =	sadd.s32 s5, s19  }
0x9d: {  	s8 =	simm.s32 $0x0;
	s20 =	sshll.u32 s6, $0x1;
	s6 =	sadd.s32 s21, s4  }
0x9e: {  	[timem:s8], [sflag:s22] =	dma.local [hbm:s6], s20  }
0x9f: {  	_ =	swait.ge [sflag:s22], s20  }
0xa0: {  	s5 =	ssub.s32 $0x0, s20;
	[sflag:s22] =	ssyncset.done $0x0  }
0xa1: {  	[sflag:s22] =	ssyncadd.s32 s5;
	_ =	sdelay $0x1  }
0xa2: {  	s23 =	simm.s32 $0x1B8B  }
0xa3: {  	_ =	swait.ge [sflag:s23], $0x1  }
0xa4: {  	[sflag:s23] =	ssyncset.done $0x0  }
0xa5: {  	s25 =	simm.s32 $0x1B8E;
	s24 =	sld [smem:$0x3FFE];
	[sflag:s23] =	ssyncadd.s32 $0xFFFFFFFF  }
0xa6: {  	s26 =	simm.s32 $execute0_lowered;
	[smem:$0x3FD2] =	sst s25  }
0xa7: {  	s6 =	sshll.u32 s26, $0x1;
	_ =	strace $0x80000046;
	[dreg:$0x1] =	wrdreg $0xFFFFFFFF  }
0xa8: {  	s28 =	simm.s32 $_size_execute0_lowered;
	s4 =	sadd.s32 s4, s6;
	[dreg:$0x0] =	wrdreg $0x0  }
0xa9: {  	s6 =	sshll.u32 s28, $0x1;
	[dreg:$0x2] =	wrdreg s4  }
0xaa: {  	[dreg:$0x3] =	wrdreg s6  }
0xab: {  	[dreg:$0x4] =	wrdreg $0xC0  }
0xac: {  	_ =	task [dreg:s8], $0x5FFFF  }
0xad: {  	[dreg:$0x1] =	wrdreg $0xFFFFFFFF  }
0xae: {  	[dreg:$0x0] =	wrdreg $0x60  }
0xaf: {  	[dreg:$0x2] =	wrdreg s2  }
0xb0: {  	[dreg:$0x3] =	wrdreg s24  }
0xb1: {  	[dreg:$0x4] =	wrdreg s18  }
0xb2: {  	[dreg:$0x5] =	wrdreg $0x20000  }
0xb3: {  	[dreg:$0x6] =	wrdreg $0x9  }
0xb4: {  	_ =	task.clear_ibuf [dreg:s8], $0x7FFFF;
	_ =	strace $0x90000046  }
0xb5: {  	s29 =	simm.s32 $0x9;
	_ =	strace $0x80000048  }
0xb6: {  	_ =	swait.ge [sflag:s29], $0x1  }
0xb7: {  	[sflag:s29] =	ssyncadd.s32 $0xFFFFFFFF  }
0xb8: {  	_ =	strace $0x90000048  }
0xb9: {  	_ =	sfence  }
0xba: {  	s30 =	sld [smem:$0x0];
	_ =	sdelay $0x2  }
0xbb: {  	s31 =	sshll.u32 s1, $0xD;
	s1 =	sshrl.u32 s1, $0x2  }
0xbc: {  	s3 =	sand.u32 $0x4000, s31;
	s1 =	sadd.s32 s1, s30  }
0xbd: {  	s0 =	sor.u32 s3, s0;
	s1 =	sshll.u32 s1, $0x11  }
0xbe: {  	s0 =	sor.u32 s1, s0  }
0xbf: {  	s0 =	sadd.s32 $0x8F2B, s0  }
0xc0: {  	[sflag:s0] =	ssyncadd.remote.s32 $0x1  }
0xc1: {  	_ =	sfence.sel $0xFFFF  }
0xc2: {  	[dreg:$0x0] =	wrdreg $0xFFFFFFFF;
	(pc) =	sbr.abs _section_cstart, $3  }
0xc3: {  	[dreg:$0x1] =	wrdreg $0xFFFFFFFF  }
0xc4: {  	_ =	task.clear_ibuf [dreg:s8], $0x2FFFF;
	_ =	strace $0x9FFFFFFF  }
0xc5: {  	(tm) =	ssettm $0x7FFFFFFF  }
tec
execute0_lowered:
.L_overlay_start_1:
0x0: {  	(tag) =	ssettag $0x1  }
0x1: {  	s0 =	rddreg [dreg:$0x1]  }
0x2: {  	s1 =	rddreg [dreg:$0x2];
	s8 =	stileid.u32  }
0x3: {  	s3 =	srdreg.scid;
	s13 =	smul.u32 $0x1900000, s8  }
0x4: {  	s2 =	rddreg [dreg:$0x3];
	s28 =	simm.s32 $0x3;
	s15 =	smul.u32 $0x320000, s8  }
0x5: {  	s29 =	simm.s32 $0x2;
	s10 =	sand.u32 $0x1, s3;
	s16 =	smul.u32 $0x32000, s8  }
0x6: {  	s30 =	simm.s32 $0x4;
	s31 =	simm.s32 $0x0;
	s14 =	smul.u32 $0xC80000, s10  }
0x7: {  	s4 =	sshll.u32 s8, $0x1;
	s3 =	simm.s32 $0x0;
	s19 =	smul.u32 $0x19000, s10  }
0x8: {  	s6 =	sor.u32 s10, s4;
	s7 =	ssub.s32 $0x2, s10;
	s10 =	smul.u32 $0x190000, s10  }
0x9: {  	s5 =	sadd.s32 $0x400, s0;
	[smem:$0x7FF] =	sst s3;
	s4 =	smul.u32 $0x19000, s6  }
0xa: {  	p0 =	sne.s32 s8, $0x0;
	_ =	strace $0x80000047;
	s25 =	smul.u32 $0x190000, s6  }
0xb: {  	s11 =	smul.u32 $0xC80000, s6;
	s12 =	sshrl.u32 s7, $0x1;
	s21 =	sadd.s32 s15, s1  }
0xc: {  	s15 =	simm.s32 $0x2300;
	s12 =	ssub.s32 s7, s12;
	s18 =	sadd.s32 s14, s13  }
0xd: {  	s13 =	sadd.s32 s19, s16;
	s22 =	sadd.s32 s10, s21;
	s16 =	simm.s32 $0x5  }
0xe: {  	s19 =	simm.s32 $0x6400;
	s9 =	sshrl.u32 s4, $0x3;
	s0 =	sadd.s32 s1, s25  }
0xf: {  	s17 =	sshrl.u32 s11, $0x3;
	s20 =	smax.u32 s12, $0x1;
	s23 =	sor.u32 $0x300, s13  }
0x10: {  	s24 =	sadd.s32 $0x1000, s22;
	s13 =	simm.s32 $0x2200;
	[dreg:$0x7] =	wrdreg s0  }
0x11: {  	s22 =	simm.s32 $0x2380;
	s26 =	sadd.s32 s5, s9;
	[dreg:$0x9] =	wrdreg s20  }
0x12: {  	s0 =	sadd.s32 s1, s17;
	s25 =	sshrl.u32 s23, $0x3;
	[dreg:$0x6] =	wrdreg s24  }
0x13: {  	s17 =	simm.s32 $0x80;
	s20 =	simm.s32 $0x2280;
	s23 =	simm.s32 $0x6  }
0x14: {  	s24 =	simm.s32 $0xA400;
	s7 =	sadd.s32 $0x20, s26;
	s9 =	sadd.s32 $0x40, s26  }
0x15: {  	s0 =	sadd.s32 $0x18F000, s0;
	s12 =	sadd.s32 s25, s5;
	s14 =	smov.u32 s26  }
0x16: {  	s26 =	sadd.s32 $0x10, s26;
	[dreg:$0x8] =	wrdreg s0;
	s0 =	sor.u32 $0x10000, s18  }
0x17: {  	s25 =	simm.s32 $0xE400;
	[dreg:$0xa] =	wrdreg s26;
	s0 =	sshrl.u32 s0, $0x3  }
0x18: {  	s18 =	simm.s32 $0x2400;
	s6 =	smov.u32 s7;
	s0 =	sadd.s32 s0, s1  }
0x19: {  	s21 =	sadd.s32 $0x10, s7;
	s26 =	simm.s32 $0x1;
	[dreg:$0x5] =	wrdreg s0  }
.LBB2_1:
0x1a: {  	s0 =	simm.s32 @!p0 $0x0;
	s1 =	rddreg [dreg:$0x0]  }
0x1b: {  	[tilespmem:s0], [sflag:$0x7] =	stream.linear.gather @!p0 [hbm4b:s1+s0], $0x2000, $0x38;
	[tilespmem:$0x12400] =	vst v63  }
0x1c: {  	s1 =	simm.s32 @!p0 $0x7  }
0x1d: {  	_ =	swait.ge @!p0 [sflag:s1], $0x2000  }
0x1e: {  	[sflag:s1] =	ssyncset.done @!p0 $0x0  }
0x1f: {  	[sflag:s1] =	ssyncadd.s32 @!p0 $0xFFFFE000  }
0x20: {  	[spmem:s2] =	stream.linear.scatter @!p0 [tilespmem:s0], [sflag:$0x7], $0x2000, $0x38;
	[tilespmem:$0x12400] =	vst v63  }
0x21: {  	_ =	swait.ge @!p0 [sflag:s1], $0x2000  }
0x22: {  	[sflag:s1] =	ssyncset.done @!p0 $0x0  }
0x23: {  	[sflag:s1] =	ssyncadd.s32 @!p0 $0xFFFFE000  }
0x24: {  	[bflag:$0x0] =	sbarrier.arrive $0xFFFF  }
0x25: {  	[tilespmem:s13], [sflag:$0x5] =	stream.linear.gather [hbm4b:s14+s3], $0x80, $0x38;
	[tilespmem:$0x12400] =	vst v63  }
0x26: {  	s10 =	rddreg [dreg:$0xa]  }
0x27: {  	[tilespmem:s15], [sflag:$0x5] =	stream.linear.gather [hbm4b:s10+s3], $0x80, $0x38;
	[tilespmem:$0x12400] =	vst v63  }
0x28: {  	_ =	swait.ge [sflag:s16], $0x100  }
0x29: {  	[sflag:s16] =	ssyncset.done $0x0  }
0x2a: {  	[sflag:s16] =	ssyncadd.s32 $0xFFFFFF00  }
0x2b: {  	[tilespmem:s18], [sflag:$0x1] =	stream.indirect.gather [spmem:s2], $0x80, s13, s17, $0xb8;
	[tilespmem:$0x12400] =	vst v63  }
0x2c: {  	_ = 	snop  }
0x2d: {  	[tilespmem:s19], [sflag:$0x1] =	stream.indirect.gather [spmem:s2], $0x80, s15, s17, $0xb8;
	[tilespmem:$0x12400] =	vst v63  }
0x2e: {  	_ = 	snop  }
0x2f: {  	[tilespmem:s20], [sflag:$0x6] =	stream.linear.gather [hbm4b:s6+s3], $0x80, $0x38;
	[tilespmem:$0x12400] =	vst v63  }
0x30: {  	_ = 	snop  }
0x31: {  	[tilespmem:s22], [sflag:$0x6] =	stream.linear.gather [hbm4b:s21+s3], $0x80, $0x38;
	[tilespmem:$0x12400] =	vst v63  }
0x32: {  	_ =	swait.ge [sflag:s23], $0x100  }
0x33: {  	[sflag:s23] =	ssyncset.done $0x0  }
0x34: {  	[sflag:s23] =	ssyncadd.s32 $0xFFFFFF00  }
0x35: {  	[tilespmem:s24], [sflag:$0x2] =	stream.indirect.gather [spmem:s2], $0x80, s20, s17, $0xb8;
	[tilespmem:$0x12400] =	vst v63  }
0x36: {  	_ = 	snop  }
0x37: {  	[tilespmem:s25], [sflag:$0x2] =	stream.indirect.gather [spmem:s2], $0x80, s22, s17, $0xb8;
	[tilespmem:$0x12400] =	vst v63  }
0x38: {  	_ =	swait.ge [sflag:s26], $0x4000  }
0x39: {  	[sflag:s26] =	ssyncset.done $0x0  }
0x3a: {  	[sflag:s26] =	ssyncadd.s32 $0xFFFFC000  }
0x3b: {  	_ =	swait.ge [sflag:s26], $0x4000  }
0x3c: {  	[sflag:s26] =	ssyncset.done $0x0  }
0x3d: {  	s11 =	rddreg [dreg:$0x7];
	[sflag:s26] =	ssyncadd.s32 $0xFFFFC000  }
0x3e: {  	[hbm4b:s11+s3] =	stream.linear.scatter [tilespmem:s18], [sflag:$0x3], $0x8000, $0x38;
	[tilespmem:$0x12400] =	vst v63  }
0x3f: {  	_ = 	snop  }
0x40: {  	[tilespmem:s13], [sflag:$0x5] =	stream.linear.gather [hbm4b:s9+s3], $0x80, $0x38;
	[tilespmem:$0x12400] =	vst v63  }
0x41: {  	s1 =	sadd.s32 $0x10, s9  }
0x42: {  	[tilespmem:s15], [sflag:$0x5] =	stream.linear.gather [hbm4b:s1+s3], $0x80, $0x38;
	[tilespmem:$0x12400] =	vst v63  }
0x43: {  	_ =	swait.ge [sflag:s28], $0x8000  }
0x44: {  	[sflag:s28] =	ssyncset.done $0x0  }
0x45: {  	[sflag:s28] =	ssyncadd.s32 $0xFFFF8000  }
0x46: {  	_ =	swait.ge [sflag:s16], $0x100  }
0x47: {  	[sflag:s16] =	ssyncset.done $0x0  }
0x48: {  	[sflag:s16] =	ssyncadd.s32 $0xFFFFFF00  }
0x49: {  	[tilespmem:s18], [sflag:$0x1] =	stream.indirect.gather [spmem:s2], $0x80, s13, s17, $0xb8;
	[tilespmem:$0x12400] =	vst v63  }
0x4a: {  	_ = 	snop  }
0x4b: {  	[tilespmem:s19], [sflag:$0x1] =	stream.indirect.gather [spmem:s2], $0x80, s15, s17, $0xb8;
	[tilespmem:$0x12400] =	vst v63  }
0x4c: {  	_ =	swait.ge [sflag:s29], $0x4000  }
0x4d: {  	[sflag:s29] =	ssyncset.done $0x0  }
0x4e: {  	[sflag:s29] =	ssyncadd.s32 $0xFFFFC000  }
0x4f: {  	_ =	swait.ge [sflag:s29], $0x4000  }
0x50: {  	s7 =	rddreg [dreg:$0x6];
	[sflag:s29] =	ssyncset.done $0x0  }
0x51: {  	[sflag:s29] =	ssyncadd.s32 $0xFFFFC000;
	s0 =	sadd.s32 $0x0, s7  }
0x52: {  	[hbm4b:s0+s3] =	stream.linear.scatter [tilespmem:s24], [sflag:$0x4], $0x8000, $0x38;
	[tilespmem:$0x12400] =	vst v63  }
0x53: {  	_ = 	snop  }
0x54: {  	[tilespmem:s20], [sflag:$0x6] =	stream.linear.gather [hbm4b:s12+s3], $0x80, $0x38;
	[tilespmem:$0x12400] =	vst v63  }
0x55: {  	s8 =	sadd.s32 $0x10, s12  }
0x56: {  	[tilespmem:s22], [sflag:$0x6] =	stream.linear.gather [hbm4b:s8+s3], $0x80, $0x38;
	[tilespmem:$0x12400] =	vst v63  }
0x57: {  	_ =	swait.ge [sflag:s30], $0x8000  }
0x58: {  	[sflag:s30] =	ssyncset.done $0x0  }
0x59: {  	[sflag:s30] =	ssyncadd.s32 $0xFFFF8000  }
0x5a: {  	_ =	swait.ge [sflag:s23], $0x100  }
0x5b: {  	[sflag:s23] =	ssyncset.done $0x0  }
0x5c: {  	[sflag:s23] =	ssyncadd.s32 $0xFFFFFF00  }
0x5d: {  	[tilespmem:s24], [sflag:$0x2] =	stream.indirect.gather [spmem:s2], $0x80, s20, s17, $0xb8;
	[tilespmem:$0x12400] =	vst v63  }
0x5e: {  	_ = 	snop  }
0x5f: {  	[tilespmem:s25], [sflag:$0x2] =	stream.indirect.gather [spmem:s2], $0x80, s22, s17, $0xb8;
	[tilespmem:$0x12400] =	vst v63  }
0x60: {  	_ =	swait.ge [sflag:s26], $0x4000  }
0x61: {  	p1 =	por $0x0, $0x0;
	s1 =	simm.s32 $0x400;
	[sflag:s26] =	ssyncset.done $0x0  }
0x62: {  	s1 =	simm.s32 @p1 $0x0;
	[sflag:s26] =	ssyncadd.s32 $0xFFFFC000  }
0x63: {  	s1 =	sadd.s32 s4, s1;
	_ =	swait.ge [sflag:s26], $0x4000  }
0x64: {  	s11 =	sshrl.u32 s1, $0x3;
	s10 =	rddreg [dreg:$0x5];
	[sflag:s26] =	ssyncset.done $0x0  }
0x65: {  	s1 =	simm.s32 $0x2000;
	[sflag:s26] =	ssyncadd.s32 $0xFFFFC000;
	s0 =	sadd.s32 $0x0, s10  }
0x66: {  	[hbm4b:s0+s3] =	stream.linear.scatter [tilespmem:s18], [sflag:$0x3], $0x8000, $0x38;
	[tilespmem:$0x12400] =	vst v63  }
0x67: {  	s8 =	sadd.s32 $0x40, s12;
	s10 =	sadd.s32 s5, s11;
	s11 =	simm.s32 $0x600  }
0x68: {  	[tilespmem:s13], [sflag:$0x5] =	stream.linear.gather [hbm4b:s10+s3], $0x80, $0x38;
	[tilespmem:$0x12400] =	vst v63  }
.LBB2_2:
0x69: {  	s7 =	sadd.s32 $0x10, s10  }
0x6a: {  	[tilespmem:s15], [sflag:$0x5] =	stream.linear.gather [hbm4b:s7+s3], $0x80, $0x38;
	[tilespmem:$0x12400] =	vst v63  }
0x6b: {  	_ =	swait.ge [sflag:s28], $0x8000  }
0x6c: {  	[sflag:s28] =	ssyncset.done $0x0  }
0x6d: {  	[sflag:s28] =	ssyncadd.s32 $0xFFFF8000  }
0x6e: {  	_ =	swait.ge [sflag:s16], $0x100  }
0x6f: {  	[sflag:s16] =	ssyncset.done $0x0  }
0x70: {  	[sflag:s16] =	ssyncadd.s32 $0xFFFFFF00  }
0x71: {  	[tilespmem:s18], [sflag:$0x1] =	stream.indirect.gather [spmem:s2], $0x80, s13, s17, $0xb8;
	[tilespmem:$0x12400] =	vst v63  }
0x72: {  	_ = 	snop  }
0x73: {  	[tilespmem:s19], [sflag:$0x1] =	stream.indirect.gather [spmem:s2], $0x80, s15, s17, $0xb8;
	[tilespmem:$0x12400] =	vst v63  }
0x74: {  	_ =	swait.ge [sflag:s29], $0x4000  }
0x75: {  	[sflag:s29] =	ssyncset.done $0x0  }
0x76: {  	[sflag:s29] =	ssyncadd.s32 $0xFFFFC000  }
0x77: {  	_ =	swait.ge [sflag:s29], $0x4000  }
0x78: {  	s10 =	smov.u32 s1;
	s0 =	rddreg [dreg:$0x6];
	[sflag:s29] =	ssyncset.done $0x0  }
0x79: {  	[sflag:s29] =	ssyncadd.s32 $0xFFFFC000;
	s7 =	sadd.s32 s10, s0  }
0x7a: {  	[hbm4b:s7+s3] =	stream.linear.scatter [tilespmem:s24], [sflag:$0x4], $0x8000, $0x38;
	[tilespmem:$0x12400] =	vst v63  }
0x7b: {  	_ = 	snop  }
0x7c: {  	[tilespmem:s20], [sflag:$0x6] =	stream.linear.gather [hbm4b:s8+s3], $0x80, $0x38;
	[tilespmem:$0x12400] =	vst v63  }
0x7d: {  	s0 =	sadd.s32 $0x10, s8  }
0x7e: {  	[tilespmem:s22], [sflag:$0x6] =	stream.linear.gather [hbm4b:s0+s3], $0x80, $0x38;
	[tilespmem:$0x12400] =	vst v63  }
0x7f: {  	_ =	swait.ge [sflag:s30], $0x8000  }
0x80: {  	[sflag:s30] =	ssyncset.done $0x0  }
0x81: {  	[sflag:s30] =	ssyncadd.s32 $0xFFFF8000  }
0x82: {  	_ =	swait.ge [sflag:s23], $0x100  }
0x83: {  	[sflag:s23] =	ssyncset.done $0x0  }
0x84: {  	[sflag:s23] =	ssyncadd.s32 $0xFFFFFF00  }
0x85: {  	[tilespmem:s24], [sflag:$0x2] =	stream.indirect.gather [spmem:s2], $0x80, s20, s17, $0xb8;
	[tilespmem:$0x12400] =	vst v63  }
0x86: {  	_ = 	snop  }
0x87: {  	[tilespmem:s25], [sflag:$0x2] =	stream.indirect.gather [spmem:s2], $0x80, s22, s17, $0xb8;
	[tilespmem:$0x12400] =	vst v63  }
0x88: {  	_ =	swait.ge [sflag:s26], $0x4000  }
0x89: {  	p2 =	seq.s32 s10, $0x18C000;
	s0 =	smov.u32 s11;
	[sflag:s26] =	ssyncset.done $0x0  }
0x8a: {  	p1 =	sne.s32 s1, $0x18C000;
	s0 =	simm.s32 @p2 $0x0;
	[sflag:s26] =	ssyncadd.s32 $0xFFFFC000  }
0x8b: {  	s1 =	sadd.s32 $0x2000, s1;
	s0 =	sadd.s32 s4, s0;
	_ =	swait.ge [sflag:s26], $0x4000  }
.Ltmp0:
0x8c: {  	s7 =	rddreg [dreg:$0x5];
	[sflag:s26] =	ssyncset.done $0x0;
	(pc) =	sbr.rel @p1 .LBB2_2-.Ltmp0, $4  }
0x8d: {  	s0 =	sshrl.u32 s0, $0x3;
	[sflag:s26] =	ssyncadd.s32 $0xFFFFC000;
	s7 =	sadd.s32 s10, s7  }
0x8e: {  	[hbm4b:s7+s3] =	stream.linear.scatter [tilespmem:s18], [sflag:$0x3], $0x8000, $0x38;
	[tilespmem:$0x12400] =	vst v63  }
0x8f: {  	s8 =	sadd.s32 $0x40, s8;
	s11 =	sadd.s32 $0x200, s11;
	s10 =	sadd.s32 s5, s0  }
0x90: {  	[tilespmem:s13], [sflag:$0x5] =	stream.linear.gather [hbm4b:s10+s3], $0x80, $0x38;
	[tilespmem:$0x12400] =	vst v63  }
0x91: {  	s0 =	sadd.s32 $0x10, s10  }
0x92: {  	[tilespmem:s15], [sflag:$0x5] =	stream.linear.gather [hbm4b:s0+s3], $0x80, $0x38;
	[tilespmem:$0x12400] =	vst v63  }
0x93: {  	_ =	swait.ge [sflag:s29], $0x4000  }
0x94: {  	[sflag:s29] =	ssyncset.done $0x0  }
0x95: {  	[sflag:s29] =	ssyncadd.s32 $0xFFFFC000  }
0x96: {  	_ =	swait.ge [sflag:s29], $0x4000  }
0x97: {  	[sflag:s29] =	ssyncset.done $0x0  }
0x98: {  	s10 =	rddreg [dreg:$0x8];
	[sflag:s29] =	ssyncadd.s32 $0xFFFFC000  }
0x99: {  	[hbm4b:s10+s3] =	stream.linear.scatter [tilespmem:s24], [sflag:$0x4], $0x8000, $0x38;
	[tilespmem:$0x12400] =	vst v63  }
0x9a: {  	_ =	swait.ge [sflag:s16], $0x100  }
0x9b: {  	[sflag:s16] =	ssyncset.done $0x0  }
0x9c: {  	[sflag:s16] =	ssyncadd.s32 $0xFFFFFF00  }
0x9d: {  	_ =	swait.ge [sflag:s28], $0x8000  }
0x9e: {  	[sflag:s28] =	ssyncset.done $0x0  }
0x9f: {  	[sflag:s28] =	ssyncadd.s32 $0xFFFF8000  }
0xa0: {  	_ =	swait.ge [sflag:s30], $0x8000  }
0xa1: {  	s31 =	sadd.s32 $0x1, s31;
	s11 =	rddreg [dreg:$0x9]  }
0xa2: {  	p1 =	sne.s32 s31, s11  }
.Ltmp1:
0xa3: {  	_ = 	snop;
	(pc) =	sbr.rel @p1 .LBB2_1-.Ltmp1, $3  }
0xa4: {  	_ =	sdelay $0x1  }
0xa5: {  	[sflag:s30] =	ssyncset.done $0x0  }
0xa6: {  	[sflag:s30] =	ssyncadd.s32 $0xFFFF8000  }
0xa7: {  	_ =	sfence.sel $0x180000  }
0xa8: {  	[bflag:$0x0] =	sbarrier.arrive $0xFFFF  }
0xa9: {  	_ =	strace $0x90000047  }
0xaa: {  	[bflag:$0x2] =	sbarrier.arrive $0xFFFF  }
0xab: {  	s0 =	rddreg [dreg:$0x4]  }
0xac: {  	s0 =	sadd.s32 @!p0 $0x100000, s0  }
0xad: {  	[sflag:s0] =	ssyncadd.tile.s32 @!p0 $0x1;
	_ =	shalt  }
.Lfunc_end2:
_tile_overlayer_lowered:
.L_overlay_start_2:
0xae: {  	(tag) =	ssettag $0x2  }
0xaf: {  	s0 =	rddreg [dreg:$0x0];
	s2 =	stileid.u32  }
0xb0: {  	s1 =	rddreg [dreg:$0x1];
	p0 =	sne.s32 s2, $0x0  }
0xb1: {  	s3 =	rddreg [dreg:$0x2];
	[bflag:$0x3] =	sbarrier.arrive $0xFFFF;
	s2 =	simm.s32 @!p0 $0x1C07  }
0xb2: {  	[timem:s3], [sflag:s2] =	dma.local @!p0 [hbm:s0], s1  }
0xb3: {  	s0 =	simm.s32 @!p0 $0x7  }
0xb4: {  	_ =	swait.ge @!p0 [sflag:s0], s1  }
0xb5: {  	s1 =	ssub.s32 @!p0 $0x0, s1;
	[sflag:s0] =	ssyncset.done @!p0 $0x0  }
0xb6: {  	[sflag:s0] =	ssyncadd.s32 @!p0 s1  }
0xb7: {  	[bflag:$0x3] =	sbarrier.arrive $0xFFFF  }
0xb8: {  	_ =	shalt  }

</sc_bundles>
